<compile_context>
chip_gen: v7x
topology: tpu7x:2x2x1
jax: 0.10.2.dev20260603
libtpu: 0.0.44.dev20260713+nightly
codegen_flags: <defaults>
</compile_context>

<pallas_src>
import functools

import jax
import jax.numpy as jnp
from jax import lax
from jax.experimental import pallas as pl
from jax.experimental.pallas import tpu as pltpu
from jax.experimental.pallas import tpu_sc as plsc

_N = 256
_DT = 0.05
_LANES = 16
_BLK = 128


def _make_kernel(num_blocks: int, num_workers: int):
    wblocks = num_blocks // num_workers
    assert wblocks * num_workers == num_blocks
    mesh = plsc.VectorSubcoreMesh(core_axis_name="c", subcore_axis_name="s")
    nc = mesh.num_cores
    groups = _BLK // _LANES

    nsub = 2
    sub = wblocks // nsub
    assert sub * nsub == wblocks

    @functools.partial(
        pl.kernel,
        out_type=jax.ShapeDtypeStruct((num_blocks, 2, _BLK), jnp.float32),
        mesh=mesh,
        scratch_types=[
            pltpu.VMEM((sub, 2, _BLK), jnp.float32),
            pltpu.VMEM((sub, 2, _BLK), jnp.float32),
            pltpu.VMEM((_N,), jnp.float32),
            pltpu.SemaphoreType.DMA,
            pltpu.SemaphoreType.DMA,
            pltpu.SemaphoreType.DMA,
            pltpu.SemaphoreType.DMA,
        ],
        compiler_params=pltpu.CompilerParams(
            needs_layout_passes=False, use_tc_tiling_on_sc=False
        ),
    )
    def run(x_hbm, f_hbm, out_hbm, bufa, bufb, ftab, ina, inb, outa, outb):
        wid = lax.axis_index("s") * nc + lax.axis_index("c")
        b0 = wid * wblocks
        bufs = (bufa, bufb)
        insem = (ina, inb)
        outsem = (outa, outb)

        def start_in(s):
            return pltpu.async_copy(
                x_hbm.at[pl.ds(b0 + s * sub, sub)], bufs[s % 2], insem[s % 2]
            )

        loads = [start_in(0), start_in(1)]
        pltpu.sync_copy(f_hbm, ftab)
        stores = []
        for s in range(nsub):
            buf = bufs[s % 2]
            loads[s].wait()

            @plsc.parallel_loop(0, sub, 1, unroll=2)
            def step(t):
                for g in range(groups):
                    xg = buf[t, 0, pl.ds(g * _LANES, _LANES)]
                    v = xg * 128.0 + 128.5
                    v = jnp.minimum(jnp.maximum(v, 0.0), 255.0)
                    idx = v.astype(jnp.int32)
                    fv = plsc.load_gather(ftab, [idx])
                    vs = buf.at[t, 1, pl.ds(g * _LANES, _LANES)]
                    plsc.addupdate(vs, fv * _DT)

            stores.append(
                pltpu.async_copy(
                    buf, out_hbm.at[pl.ds(b0 + s * sub, sub)], outsem[s % 2]
                )
            )
            if s + 2 < nsub:
                stores[s].wait()
                loads.append(start_in(s + 2))
        stores[nsub - 2].wait()
        stores[nsub - 1].wait()

    return run


def kernel(X, force):
    b = X.shape[0]
    xt = jnp.transpose(jnp.reshape(X, (b // _BLK, _BLK, 2)), (0, 2, 1))
    yt = _make_kernel(b // _BLK, 32)(xt, force.astype(jnp.float32))
    return jnp.reshape(jnp.transpose(yt, (0, 2, 1)), (b, 2))

# --- scband reference (transcript-rebuilt; emitter-appended) ---
"""Pipeline reference for scband-f-percentage-function-70987219468601 (READ-ONLY COPY).

The authoritative reference and input builder live on the scoring server;
editing this copy changes nothing except your own understanding.
"""

import jax, jax.numpy as jnp
import numpy as np

N = 256
LOWER = -1.0
UPPER = 1.0
DT = 0.05
B = 262144


def setup_inputs(seed: int = 0) -> dict:
    key = jax.random.key(seed)
    k1, k2 = jax.random.split(key)
    X = jax.random.normal(k1, (B, 2), dtype=jnp.float32)
    force = jax.random.uniform(k2, (N,), dtype=jnp.float32)
    return {"X": X, "force": force}


def reference(X, force):
    # faithful translation of F_percentage_function.forward
    if X.ndim == 1:
        x, v = X[0], X[1]
    else:
        x, v = X[:, 0], X[:, 1]
    y_percentage = (x - LOWER) / (UPPER - LOWER) * 100.0
    grid = jnp.arange(0, 100, 100.0 / force.shape[0], dtype=jnp.float32)
    # [B, N] distance matrix, argmin over N -> nearest force point index
    idx = jnp.argmin(jnp.abs(y_percentage[:, None] - grid[None, :]), axis=1)
    selected_force = jnp.take(force, idx, axis=0)
    return jnp.stack([x, v + DT * selected_force]).T

if __name__ == "__main__":
    import jax
    _d = setup_inputs()
    print(jax.jit(kernel)(*tuple(_d.values())))

</pallas_src>

<mosaic_0001>
#map = affine_map<(d0, d1) -> (0, 0, 0)>
#map1 = affine_map<(d0, d1) -> (0)>
module attributes {stable_mosaic.version = 14 : i64} {
  func.func @run(%arg0: i32, %arg1: i32, %arg2: memref<2048x2x128xf32, #tpu.memory_space<hbm>>, %arg3: memref<256xf32, #tpu.memory_space<hbm>>, %arg4: memref<2048x2x128xf32, #tpu.memory_space<hbm>>, %arg5: memref<32x2x128xf32, #tpu.memory_space<vmem>>, %arg6: memref<32x2x128xf32, #tpu.memory_space<vmem>>, %arg7: memref<256xf32, #tpu.memory_space<vmem>>, %arg8: memref<!tpu.dma_semaphore, #tpu.memory_space<semaphore_mem>>, %arg9: memref<!tpu.dma_semaphore, #tpu.memory_space<semaphore_mem>>, %arg10: memref<!tpu.dma_semaphore, #tpu.memory_space<semaphore_mem>>, %arg11: memref<!tpu.dma_semaphore, #tpu.memory_space<semaphore_mem>>) attributes {dimension_semantics = [#tpu.dimension_semantics<core_parallel>, #tpu.dimension_semantics<subcore_parallel>], iteration_bounds = array<i64: 2, 16>, scalar_prefetch = 0 : i64, scratch_operands = 7 : i64, tpu.core_type = #tpu.core_type<sc_vector_subcore>, window_params = [{transform_indices = #map}, {transform_indices = #map1}, {transform_indices = #map}]} {
    %mul3A = arith.constant 2 : i32
    %mul3A_0 = arith.muli %arg1, %mul3A : i32
    %add3A = arith.addi %mul3A_0, %arg0 : i32
    %mul3A_1 = arith.constant 64 : i32
    %mul3A_2 = arith.muli %add3A, %mul3A_1 : i32
    %add3A_3 = arith.constant 0 : i32
    %add3A_4 = arith.addi %mul3A_2, %add3A_3 : i32
    %dma_start3A = arith.constant 0 : i32
    %dma_start3A_5 = arith.constant 0 : i32
    %dma_start3A_6 = tpu.memref_slice %arg2[%add3A_4, %dma_start3A, %dma_start3A_5] : memref<2048x2x128xf32, #tpu.memory_space<hbm>> -> memref<32x2x128xf32, #tpu.memory_space<hbm>>
    %dma_start3A_7 = arith.constant 0 : i32
    %dma_start3A_8 = arith.constant 0 : i32
    %dma_start3A_9 = tpu.memref_slice %arg2[%add3A_4, %dma_start3A_7, %dma_start3A_8] : memref<2048x2x128xf32, #tpu.memory_space<hbm>> -> memref<32x2x128xf32, #tpu.memory_space<hbm>>
    tpu.enqueue_dma source(%dma_start3A_9 : memref<32x2x128xf32, #tpu.memory_space<hbm>>) target(%arg5 : memref<32x2x128xf32, #tpu.memory_space<vmem>>) target_semaphore(%arg8 : memref<!tpu.dma_semaphore, #tpu.memory_space<semaphore_mem>>)
    %add3A_10 = arith.constant 32 : i32
    %add3A_11 = arith.addi %mul3A_2, %add3A_10 : i32
    %dma_start3A_12 = arith.constant 0 : i32
    %dma_start3A_13 = arith.constant 0 : i32
    %dma_start3A_14 = tpu.memref_slice %arg2[%add3A_11, %dma_start3A_12, %dma_start3A_13] : memref<2048x2x128xf32, #tpu.memory_space<hbm>> -> memref<32x2x128xf32, #tpu.memory_space<hbm>>
    %dma_start3A_15 = arith.constant 0 : i32
    %dma_start3A_16 = arith.constant 0 : i32
    %dma_start3A_17 = tpu.memref_slice %arg2[%add3A_11, %dma_start3A_15, %dma_start3A_16] : memref<2048x2x128xf32, #tpu.memory_space<hbm>> -> memref<32x2x128xf32, #tpu.memory_space<hbm>>
    tpu.enqueue_dma source(%dma_start3A_17 : memref<32x2x128xf32, #tpu.memory_space<hbm>>) target(%arg6 : memref<32x2x128xf32, #tpu.memory_space<vmem>>) target_semaphore(%arg9 : memref<!tpu.dma_semaphore, #tpu.memory_space<semaphore_mem>>)
    "tpu.region"() ({
      %run_scoped3A = tpu.sem_alloc : memref<!tpu.dma_semaphore, #tpu.memory_space<semaphore_mem>>
      tpu.enqueue_dma source(%arg3 : memref<256xf32, #tpu.memory_space<hbm>>) target(%arg7 : memref<256xf32, #tpu.memory_space<vmem>>) target_semaphore(%run_scoped3A : memref<!tpu.dma_semaphore, #tpu.memory_space<semaphore_mem>>)
      tpu.wait_dma2 semaphore(%run_scoped3A : memref<!tpu.dma_semaphore, #tpu.memory_space<semaphore_mem>>) src(%arg3 : memref<256xf32, #tpu.memory_space<hbm>>) dst(%arg7 : memref<256xf32, #tpu.memory_space<vmem>>)
      tpu.yield
    }) : () -> ()
    %dma_wait3A = arith.constant 0 : i32
    %dma_wait3A_18 = arith.constant 0 : i32
    %dma_wait3A_19 = tpu.memref_slice %arg2[%add3A_4, %dma_wait3A, %dma_wait3A_18] : memref<2048x2x128xf32, #tpu.memory_space<hbm>> -> memref<32x2x128xf32, #tpu.memory_space<hbm>>
    %dma_wait3A_20 = arith.constant 0 : i32
    %dma_wait3A_21 = arith.constant 0 : i32
    %dma_wait3A_22 = tpu.memref_slice %arg2[%add3A_4, %dma_wait3A_20, %dma_wait3A_21] : memref<2048x2x128xf32, #tpu.memory_space<hbm>> -> memref<32x2x128xf32, #tpu.memory_space<hbm>>
    tpu.wait_dma2 semaphore(%arg8 : memref<!tpu.dma_semaphore, #tpu.memory_space<semaphore_mem>>) src(%dma_wait3A_22 : memref<32x2x128xf32, #tpu.memory_space<hbm>>) dst(%arg5 : memref<32x2x128xf32, #tpu.memory_space<vmem>>)
    %parallel_loop3A = arith.constant 0 : i32
    %parallel_loop3A_23 = arith.constant 32 : i32
    %parallel_loop3A_24 = arith.constant 1 : i32
    scf.for %parallel_loop3A_62 = %parallel_loop3A to %parallel_loop3A_23 step %parallel_loop3A_24  : i32 {
      %parallel_loop3A_63 = arith.constant 0 : i32
      %parallel_loop3A_64 = arith.index_cast %parallel_loop3A_62 : i32 to index
      %parallel_loop3A_65 = arith.index_cast %parallel_loop3A_63 : i32 to index
      %parallel_loop3A_66 = arith.constant 0 : index
      %parallel_loop3A_67 = tpu.vector_load %arg5[%parallel_loop3A_64, %parallel_loop3A_65, %parallel_loop3A_66] {strides = array<i32>} : memref<32x2x128xf32, #tpu.memory_space<vmem>>, vector<16xf32>,
      %parallel_loop3A_68 = arith.constant 1.280000e+02 : f32
      %parallel_loop3A_69 = vector.broadcast %parallel_loop3A_68 : f32 to vector<16xf32>
      %parallel_loop3A_70 = arith.mulf %parallel_loop3A_67, %parallel_loop3A_69 : vector<16xf32>
      %parallel_loop3A_71 = arith.constant 1.285000e+02 : f32
      %parallel_loop3A_72 = vector.broadcast %parallel_loop3A_71 : f32 to vector<16xf32>
      %parallel_loop3A_73 = arith.addf %parallel_loop3A_70, %parallel_loop3A_72 : vector<16xf32>
      %parallel_loop3A_74 = arith.constant 0.000000e+00 : f32
      %parallel_loop3A_75 = vector.broadcast %parallel_loop3A_74 : f32 to vector<16xf32>
      %parallel_loop3A_76 = arith.maximumf %parallel_loop3A_73, %parallel_loop3A_75 : vector<16xf32>
      %parallel_loop3A_77 = arith.constant 2.550000e+02 : f32
      %parallel_loop3A_78 = vector.broadcast %parallel_loop3A_77 : f32 to vector<16xf32>
      %parallel_loop3A_79 = arith.minimumf %parallel_loop3A_76, %parallel_loop3A_78 : vector<16xf32>
      %parallel_loop3A_80 = arith.fptosi %parallel_loop3A_79 : vector<16xf32> to vector<16xi32>
      %parallel_loop3A_81 = tpu.vector_load_idx %arg7[%parallel_loop3A_80] : memref<256xf32, #tpu.memory_space<vmem>>[vector<16xi32>], vector<16xf32>,
      %parallel_loop3A_82 = arith.constant 5.000000e-02 : f32
      %parallel_loop3A_83 = vector.broadcast %parallel_loop3A_82 : f32 to vector<16xf32>
      %parallel_loop3A_84 = arith.mulf %parallel_loop3A_81, %parallel_loop3A_83 : vector<16xf32>
      %parallel_loop3A_85 = arith.constant 1 : i32
      %parallel_loop3A_86 = arith.index_cast %parallel_loop3A_62 : i32 to index
      %parallel_loop3A_87 = arith.index_cast %parallel_loop3A_85 : i32 to index
      %parallel_loop3A_88 = arith.constant 0 : index
      %parallel_loop3A_89 = tpu.vector_load %arg5[%parallel_loop3A_86, %parallel_loop3A_87, %parallel_loop3A_88] {strides = array<i32>} : memref<32x2x128xf32, #tpu.memory_space<vmem>>, vector<16xf32>,
      tpu.vector_store %arg5[%parallel_loop3A_86, %parallel_loop3A_87, %parallel_loop3A_88], %parallel_loop3A_84 {add = true, strides = array<i32>} : memref<32x2x128xf32, #tpu.memory_space<vmem>>, vector<16xf32>,
      %parallel_loop3A_90 = arith.constant 0 : i32
      %parallel_loop3A_91 = arith.index_cast %parallel_loop3A_62 : i32 to index
      %parallel_loop3A_92 = arith.index_cast %parallel_loop3A_90 : i32 to index
      %parallel_loop3A_93 = arith.constant 16 : index
      %parallel_loop3A_94 = tpu.vector_load %arg5[%parallel_loop3A_91, %parallel_loop3A_92, %parallel_loop3A_93] {strides = array<i32>} : memref<32x2x128xf32, #tpu.memory_space<vmem>>, vector<16xf32>,
      %parallel_loop3A_95 = arith.constant 1.280000e+02 : f32
      %parallel_loop3A_96 = vector.broadcast %parallel_loop3A_95 : f32 to vector<16xf32>
      %parallel_loop3A_97 = arith.mulf %parallel_loop3A_94, %parallel_loop3A_96 : vector<16xf32>
      %parallel_loop3A_98 = arith.constant 1.285000e+02 : f32
      %parallel_loop3A_99 = vector.broadcast %parallel_loop3A_98 : f32 to vector<16xf32>
      %parallel_loop3A_100 = arith.addf %parallel_loop3A_97, %parallel_loop3A_99 : vector<16xf32>
      %parallel_loop3A_101 = arith.constant 0.000000e+00 : f32
      %parallel_loop3A_102 = vector.broadcast %parallel_loop3A_101 : f32 to vector<16xf32>
      %parallel_loop3A_103 = arith.maximumf %parallel_loop3A_100, %parallel_loop3A_102 : vector<16xf32>
      %parallel_loop3A_104 = arith.constant 2.550000e+02 : f32
      %parallel_loop3A_105 = vector.broadcast %parallel_loop3A_104 : f32 to vector<16xf32>
      %parallel_loop3A_106 = arith.minimumf %parallel_loop3A_103, %parallel_loop3A_105 : vector<16xf32>
      %parallel_loop3A_107 = arith.fptosi %parallel_loop3A_106 : vector<16xf32> to vector<16xi32>
      %parallel_loop3A_108 = tpu.vector_load_idx %arg7[%parallel_loop3A_107] : memref<256xf32, #tpu.memory_space<vmem>>[vector<16xi32>], vector<16xf32>,
      %parallel_loop3A_109 = arith.constant 5.000000e-02 : f32
      %parallel_loop3A_110 = vector.broadcast %parallel_loop3A_109 : f32 to vector<16xf32>
      %parallel_loop3A_111 = arith.mulf %parallel_loop3A_108, %parallel_loop3A_110 : vector<16xf32>
      %parallel_loop3A_112 = arith.constant 1 : i32
      %parallel_loop3A_113 = arith.index_cast %parallel_loop3A_62 : i32 to index
      %parallel_loop3A_114 = arith.index_cast %parallel_loop3A_112 : i32 to index
      %parallel_loop3A_115 = arith.constant 16 : index
      %parallel_loop3A_116 = tpu.vector_load %arg5[%parallel_loop3A_113, %parallel_loop3A_114, %parallel_loop3A_115] {strides = array<i32>} : memref<32x2x128xf32, #tpu.memory_space<vmem>>, vector<16xf32>,
      tpu.vector_store %arg5[%parallel_loop3A_113, %parallel_loop3A_114, %parallel_loop3A_115], %parallel_loop3A_111 {add = true, strides = array<i32>} : memref<32x2x128xf32, #tpu.memory_space<vmem>>, vector<16xf32>,
      %parallel_loop3A_117 = arith.constant 0 : i32
      %parallel_loop3A_118 = arith.index_cast %parallel_loop3A_62 : i32 to index
      %parallel_loop3A_119 = arith.index_cast %parallel_loop3A_117 : i32 to index
      %parallel_loop3A_120 = arith.constant 32 : index
      %parallel_loop3A_121 = tpu.vector_load %arg5[%parallel_loop3A_118, %parallel_loop3A_119, %parallel_loop3A_120] {strides = array<i32>} : memref<32x2x128xf32, #tpu.memory_space<vmem>>, vector<16xf32>,
      %parallel_loop3A_122 = arith.constant 1.280000e+02 : f32
      %parallel_loop3A_123 = vector.broadcast %parallel_loop3A_122 : f32 to vector<16xf32>
      %parallel_loop3A_124 = arith.mulf %parallel_loop3A_121, %parallel_loop3A_123 : vector<16xf32>
      %parallel_loop3A_125 = arith.constant 1.285000e+02 : f32
      %parallel_loop3A_126 = vector.broadcast %parallel_loop3A_125 : f32 to vector<16xf32>
      %parallel_loop3A_127 = arith.addf %parallel_loop3A_124, %parallel_loop3A_126 : vector<16xf32>
      %parallel_loop3A_128 = arith.constant 0.000000e+00 : f32
      %parallel_loop3A_129 = vector.broadcast %parallel_loop3A_128 : f32 to vector<16xf32>
      %parallel_loop3A_130 = arith.maximumf %parallel_loop3A_127, %parallel_loop3A_129 : vector<16xf32>
      %parallel_loop3A_131 = arith.constant 2.550000e+02 : f32
      %parallel_loop3A_132 = vector.broadcast %parallel_loop3A_131 : f32 to vector<16xf32>
      %parallel_loop3A_133 = arith.minimumf %parallel_loop3A_130, %parallel_loop3A_132 : vector<16xf32>
      %parallel_loop3A_134 = arith.fptosi %parallel_loop3A_133 : vector<16xf32> to vector<16xi32>
      %parallel_loop3A_135 = tpu.vector_load_idx %arg7[%parallel_loop3A_134] : memref<256xf32, #tpu.memory_space<vmem>>[vector<16xi32>], vector<16xf32>,
      %parallel_loop3A_136 = arith.constant 5.000000e-02 : f32
      %parallel_loop3A_137 = vector.broadcast %parallel_loop3A_136 : f32 to vector<16xf32>
      %parallel_loop3A_138 = arith.mulf %parallel_loop3A_135, %parallel_loop3A_137 : vector<16xf32>
      %parallel_loop3A_139 = arith.constant 1 : i32
      %parallel_loop3A_140 = arith.index_cast %parallel_loop3A_62 : i32 to index
      %parallel_loop3A_141 = arith.index_cast %parallel_loop3A_139 : i32 to index
      %parallel_loop3A_142 = arith.constant 32 : index
      %parallel_loop3A_143 = tpu.vector_load %arg5[%parallel_loop3A_140, %parallel_loop3A_141, %parallel_loop3A_142] {strides = array<i32>} : memref<32x2x128xf32, #tpu.memory_space<vmem>>, vector<16xf32>,
      tpu.vector_store %arg5[%parallel_loop3A_140, %parallel_loop3A_141, %parallel_loop3A_142], %parallel_loop3A_138 {add = true, strides = array<i32>} : memref<32x2x128xf32, #tpu.memory_space<vmem>>, vector<16xf32>,
      %parallel_loop3A_144 = arith.constant 0 : i32
      %parallel_loop3A_145 = arith.index_cast %parallel_loop3A_62 : i32 to index
      %parallel_loop3A_146 = arith.index_cast %parallel_loop3A_144 : i32 to index
      %parallel_loop3A_147 = arith.constant 48 : index
      %parallel_loop3A_148 = tpu.vector_load %arg5[%parallel_loop3A_145, %parallel_loop3A_146, %parallel_loop3A_147] {strides = array<i32>} : memref<32x2x128xf32, #tpu.memory_space<vmem>>, vector<16xf32>,
      %parallel_loop3A_149 = arith.constant 1.280000e+02 : f32
      %parallel_loop3A_150 = vector.broadcast %parallel_loop3A_149 : f32 to vector<16xf32>
      %parallel_loop3A_151 = arith.mulf %parallel_loop3A_148, %parallel_loop3A_150 : vector<16xf32>
      %parallel_loop3A_152 = arith.constant 1.285000e+02 : f32
      %parallel_loop3A_153 = vector.broadcast %parallel_loop3A_152 : f32 to vector<16xf32>
      %parallel_loop3A_154 = arith.addf %parallel_loop3A_151, %parallel_loop3A_153 : vector<16xf32>
      %parallel_loop3A_155 = arith.constant 0.000000e+00 : f32
      %parallel_loop3A_156 = vector.broadcast %parallel_loop3A_155 : f32 to vector<16xf32>
      %parallel_loop3A_157 = arith.maximumf %parallel_loop3A_154, %parallel_loop3A_156 : vector<16xf32>
      %parallel_loop3A_158 = arith.constant 2.550000e+02 : f32
      %parallel_loop3A_159 = vector.broadcast %parallel_loop3A_158 : f32 to vector<16xf32>
      %parallel_loop3A_160 = arith.minimumf %parallel_loop3A_157, %parallel_loop3A_159 : vector<16xf32>
      %parallel_loop3A_161 = arith.fptosi %parallel_loop3A_160 : vector<16xf32> to vector<16xi32>
      %parallel_loop3A_162 = tpu.vector_load_idx %arg7[%parallel_loop3A_161] : memref<256xf32, #tpu.memory_space<vmem>>[vector<16xi32>], vector<16xf32>,
      %parallel_loop3A_163 = arith.constant 5.000000e-02 : f32
      %parallel_loop3A_164 = vector.broadcast %parallel_loop3A_163 : f32 to vector<16xf32>
      %parallel_loop3A_165 = arith.mulf %parallel_loop3A_162, %parallel_loop3A_164 : vector<16xf32>
      %parallel_loop3A_166 = arith.constant 1 : i32
      %parallel_loop3A_167 = arith.index_cast %parallel_loop3A_62 : i32 to index
      %parallel_loop3A_168 = arith.index_cast %parallel_loop3A_166 : i32 to index
      %parallel_loop3A_169 = arith.constant 48 : index
      %parallel_loop3A_170 = tpu.vector_load %arg5[%parallel_loop3A_167, %parallel_loop3A_168, %parallel_loop3A_169] {strides = array<i32>} : memref<32x2x128xf32, #tpu.memory_space<vmem>>, vector<16xf32>,
      tpu.vector_store %arg5[%parallel_loop3A_167, %parallel_loop3A_168, %parallel_loop3A_169], %parallel_loop3A_165 {add = true, strides = array<i32>} : memref<32x2x128xf32, #tpu.memory_space<vmem>>, vector<16xf32>,
      %parallel_loop3A_171 = arith.constant 0 : i32
      %parallel_loop3A_172 = arith.index_cast %parallel_loop3A_62 : i32 to index
      %parallel_loop3A_173 = arith.index_cast %parallel_loop3A_171 : i32 to index
      %parallel_loop3A_174 = arith.constant 64 : index
      %parallel_loop3A_175 = tpu.vector_load %arg5[%parallel_loop3A_172, %parallel_loop3A_173, %parallel_loop3A_174] {strides = array<i32>} : memref<32x2x128xf32, #tpu.memory_space<vmem>>, vector<16xf32>,
      %parallel_loop3A_176 = arith.constant 1.280000e+02 : f32
      %parallel_loop3A_177 = vector.broadcast %parallel_loop3A_176 : f32 to vector<16xf32>
      %parallel_loop3A_178 = arith.mulf %parallel_loop3A_175, %parallel_loop3A_177 : vector<16xf32>
      %parallel_loop3A_179 = arith.constant 1.285000e+02 : f32
      %parallel_loop3A_180 = vector.broadcast %parallel_loop3A_179 : f32 to vector<16xf32>
      %parallel_loop3A_181 = arith.addf %parallel_loop3A_178, %parallel_loop3A_180 : vector<16xf32>
      %parallel_loop3A_182 = arith.constant 0.000000e+00 : f32
      %parallel_loop3A_183 = vector.broadcast %parallel_loop3A_182 : f32 to vector<16xf32>
      %parallel_loop3A_184 = arith.maximumf %parallel_loop3A_181, %parallel_loop3A_183 : vector<16xf32>
      %parallel_loop3A_185 = arith.constant 2.550000e+02 : f32
      %parallel_loop3A_186 = vector.broadcast %parallel_loop3A_185 : f32 to vector<16xf32>
      %parallel_loop3A_187 = arith.minimumf %parallel_loop3A_184, %parallel_loop3A_186 : vector<16xf32>
      %parallel_loop3A_188 = arith.fptosi %parallel_loop3A_187 : vector<16xf32> to vector<16xi32>
      %parallel_loop3A_189 = tpu.vector_load_idx %arg7[%parallel_loop3A_188] : memref<256xf32, #tpu.memory_space<vmem>>[vector<16xi32>], vector<16xf32>,
      %parallel_loop3A_190 = arith.constant 5.000000e-02 : f32
      %parallel_loop3A_191 = vector.broadcast %parallel_loop3A_190 : f32 to vector<16xf32>
      %parallel_loop3A_192 = arith.mulf %parallel_loop3A_189, %parallel_loop3A_191 : vector<16xf32>
      %parallel_loop3A_193 = arith.constant 1 : i32
      %parallel_loop3A_194 = arith.index_cast %parallel_loop3A_62 : i32 to index
      %parallel_loop3A_195 = arith.index_cast %parallel_loop3A_193 : i32 to index
      %parallel_loop3A_196 = arith.constant 64 : index
      %parallel_loop3A_197 = tpu.vector_load %arg5[%parallel_loop3A_194, %parallel_loop3A_195, %parallel_loop3A_196] {strides = array<i32>} : memref<32x2x128xf32, #tpu.memory_space<vmem>>, vector<16xf32>,
      tpu.vector_store %arg5[%parallel_loop3A_194, %parallel_loop3A_195, %parallel_loop3A_196], %parallel_loop3A_192 {add = true, strides = array<i32>} : memref<32x2x128xf32, #tpu.memory_space<vmem>>, vector<16xf32>,
      %parallel_loop3A_198 = arith.constant 0 : i32
      %parallel_loop3A_199 = arith.index_cast %parallel_loop3A_62 : i32 to index
      %parallel_loop3A_200 = arith.index_cast %parallel_loop3A_198 : i32 to index
      %parallel_loop3A_201 = arith.constant 80 : index
      %parallel_loop3A_202 = tpu.vector_load %arg5[%parallel_loop3A_199, %parallel_loop3A_200, %parallel_loop3A_201] {strides = array<i32>} : memref<32x2x128xf32, #tpu.memory_space<vmem>>, vector<16xf32>,
      %parallel_loop3A_203 = arith.constant 1.280000e+02 : f32
      %parallel_loop3A_204 = vector.broadcast %parallel_loop3A_203 : f32 to vector<16xf32>
      %parallel_loop3A_205 = arith.mulf %parallel_loop3A_202, %parallel_loop3A_204 : vector<16xf32>
      %parallel_loop3A_206 = arith.constant 1.285000e+02 : f32
      %parallel_loop3A_207 = vector.broadcast %parallel_loop3A_206 : f32 to vector<16xf32>
      %parallel_loop3A_208 = arith.addf %parallel_loop3A_205, %parallel_loop3A_207 : vector<16xf32>
      %parallel_loop3A_209 = arith.constant 0.000000e+00 : f32
      %parallel_loop3A_210 = vector.broadcast %parallel_loop3A_209 : f32 to vector<16xf32>
      %parallel_loop3A_211 = arith.maximumf %parallel_loop3A_208, %parallel_loop3A_210 : vector<16xf32>
      %parallel_loop3A_212 = arith.constant 2.550000e+02 : f32
      %parallel_loop3A_213 = vector.broadcast %parallel_loop3A_212 : f32 to vector<16xf32>
      %parallel_loop3A_214 = arith.minimumf %parallel_loop3A_211, %parallel_loop3A_213 : vector<16xf32>
      %parallel_loop3A_215 = arith.fptosi %parallel_loop3A_214 : vector<16xf32> to vector<16xi32>
      %parallel_loop3A_216 = tpu.vector_load_idx %arg7[%parallel_loop3A_215] : memref<256xf32, #tpu.memory_space<vmem>>[vector<16xi32>], vector<16xf32>,
      %parallel_loop3A_217 = arith.constant 5.000000e-02 : f32
      %parallel_loop3A_218 = vector.broadcast %parallel_loop3A_217 : f32 to vector<16xf32>
      %parallel_loop3A_219 = arith.mulf %parallel_loop3A_216, %parallel_loop3A_218 : vector<16xf32>
      %parallel_loop3A_220 = arith.constant 1 : i32
      %parallel_loop3A_221 = arith.index_cast %parallel_loop3A_62 : i32 to index
      %parallel_loop3A_222 = arith.index_cast %parallel_loop3A_220 : i32 to index
      %parallel_loop3A_223 = arith.constant 80 : index
      %parallel_loop3A_224 = tpu.vector_load %arg5[%parallel_loop3A_221, %parallel_loop3A_222, %parallel_loop3A_223] {strides = array<i32>} : memref<32x2x128xf32, #tpu.memory_space<vmem>>, vector<16xf32>,
      tpu.vector_store %arg5[%parallel_loop3A_221, %parallel_loop3A_222, %parallel_loop3A_223], %parallel_loop3A_219 {add = true, strides = array<i32>} : memref<32x2x128xf32, #tpu.memory_space<vmem>>, vector<16xf32>,
      %parallel_loop3A_225 = arith.constant 0 : i32
      %parallel_loop3A_226 = arith.index_cast %parallel_loop3A_62 : i32 to index
      %parallel_loop3A_227 = arith.index_cast %parallel_loop3A_225 : i32 to index
      %parallel_loop3A_228 = arith.constant 96 : index
      %parallel_loop3A_229 = tpu.vector_load %arg5[%parallel_loop3A_226, %parallel_loop3A_227, %parallel_loop3A_228] {strides = array<i32>} : memref<32x2x128xf32, #tpu.memory_space<vmem>>, vector<16xf32>,
      %parallel_loop3A_230 = arith.constant 1.280000e+02 : f32
      %parallel_loop3A_231 = vector.broadcast %parallel_loop3A_230 : f32 to vector<16xf32>
      %parallel_loop3A_232 = arith.mulf %parallel_loop3A_229, %parallel_loop3A_231 : vector<16xf32>
      %parallel_loop3A_233 = arith.constant 1.285000e+02 : f32
      %parallel_loop3A_234 = vector.broadcast %parallel_loop3A_233 : f32 to vector<16xf32>
      %parallel_loop3A_235 = arith.addf %parallel_loop3A_232, %parallel_loop3A_234 : vector<16xf32>
      %parallel_loop3A_236 = arith.constant 0.000000e+00 : f32
      %parallel_loop3A_237 = vector.broadcast %parallel_loop3A_236 : f32 to vector<16xf32>
      %parallel_loop3A_238 = arith.maximumf %parallel_loop3A_235, %parallel_loop3A_237 : vector<16xf32>
      %parallel_loop3A_239 = arith.constant 2.550000e+02 : f32
      %parallel_loop3A_240 = vector.broadcast %parallel_loop3A_239 : f32 to vector<16xf32>
      %parallel_loop3A_241 = arith.minimumf %parallel_loop3A_238, %parallel_loop3A_240 : vector<16xf32>
      %parallel_loop3A_242 = arith.fptosi %parallel_loop3A_241 : vector<16xf32> to vector<16xi32>
      %parallel_loop3A_243 = tpu.vector_load_idx %arg7[%parallel_loop3A_242] : memref<256xf32, #tpu.memory_space<vmem>>[vector<16xi32>], vector<16xf32>,
      %parallel_loop3A_244 = arith.constant 5.000000e-02 : f32
      %parallel_loop3A_245 = vector.broadcast %parallel_loop3A_244 : f32 to vector<16xf32>
      %parallel_loop3A_246 = arith.mulf %parallel_loop3A_243, %parallel_loop3A_245 : vector<16xf32>
      %parallel_loop3A_247 = arith.constant 1 : i32
      %parallel_loop3A_248 = arith.index_cast %parallel_loop3A_62 : i32 to index
      %parallel_loop3A_249 = arith.index_cast %parallel_loop3A_247 : i32 to index
      %parallel_loop3A_250 = arith.constant 96 : index
      %parallel_loop3A_251 = tpu.vector_load %arg5[%parallel_loop3A_248, %parallel_loop3A_249, %parallel_loop3A_250] {strides = array<i32>} : memref<32x2x128xf32, #tpu.memory_space<vmem>>, vector<16xf32>,
      tpu.vector_store %arg5[%parallel_loop3A_248, %parallel_loop3A_249, %parallel_loop3A_250], %parallel_loop3A_246 {add = true, strides = array<i32>} : memref<32x2x128xf32, #tpu.memory_space<vmem>>, vector<16xf32>,
      %parallel_loop3A_252 = arith.constant 0 : i32
      %parallel_loop3A_253 = arith.index_cast %parallel_loop3A_62 : i32 to index
      %parallel_loop3A_254 = arith.index_cast %parallel_loop3A_252 : i32 to index
      %parallel_loop3A_255 = arith.constant 112 : index
      %parallel_loop3A_256 = tpu.vector_load %arg5[%parallel_loop3A_253, %parallel_loop3A_254, %parallel_loop3A_255] {strides = array<i32>} : memref<32x2x128xf32, #tpu.memory_space<vmem>>, vector<16xf32>,
      %parallel_loop3A_257 = arith.constant 1.280000e+02 : f32
      %parallel_loop3A_258 = vector.broadcast %parallel_loop3A_257 : f32 to vector<16xf32>
      %parallel_loop3A_259 = arith.mulf %parallel_loop3A_256, %parallel_loop3A_258 : vector<16xf32>
      %parallel_loop3A_260 = arith.constant 1.285000e+02 : f32
      %parallel_loop3A_261 = vector.broadcast %parallel_loop3A_260 : f32 to vector<16xf32>
      %parallel_loop3A_262 = arith.addf %parallel_loop3A_259, %parallel_loop3A_261 : vector<16xf32>
      %parallel_loop3A_263 = arith.constant 0.000000e+00 : f32
      %parallel_loop3A_264 = vector.broadcast %parallel_loop3A_263 : f32 to vector<16xf32>
      %parallel_loop3A_265 = arith.maximumf %parallel_loop3A_262, %parallel_loop3A_264 : vector<16xf32>
      %parallel_loop3A_266 = arith.constant 2.550000e+02 : f32
      %parallel_loop3A_267 = vector.broadcast %parallel_loop3A_266 : f32 to vector<16xf32>
      %parallel_loop3A_268 = arith.minimumf %parallel_loop3A_265, %parallel_loop3A_267 : vector<16xf32>
      %parallel_loop3A_269 = arith.fptosi %parallel_loop3A_268 : vector<16xf32> to vector<16xi32>
      %parallel_loop3A_270 = tpu.vector_load_idx %arg7[%parallel_loop3A_269] : memref<256xf32, #tpu.memory_space<vmem>>[vector<16xi32>], vector<16xf32>,
      %parallel_loop3A_271 = arith.constant 5.000000e-02 : f32
      %parallel_loop3A_272 = vector.broadcast %parallel_loop3A_271 : f32 to vector<16xf32>
      %parallel_loop3A_273 = arith.mulf %parallel_loop3A_270, %parallel_loop3A_272 : vector<16xf32>
      %parallel_loop3A_274 = arith.constant 1 : i32
      %parallel_loop3A_275 = arith.index_cast %parallel_loop3A_62 : i32 to index
      %parallel_loop3A_276 = arith.index_cast %parallel_loop3A_274 : i32 to index
      %parallel_loop3A_277 = arith.constant 112 : index
      %parallel_loop3A_278 = tpu.vector_load %arg5[%parallel_loop3A_275, %parallel_loop3A_276, %parallel_loop3A_277] {strides = array<i32>} : memref<32x2x128xf32, #tpu.memory_space<vmem>>, vector<16xf32>,
      tpu.vector_store %arg5[%parallel_loop3A_275, %parallel_loop3A_276, %parallel_loop3A_277], %parallel_loop3A_273 {add = true, strides = array<i32>} : memref<32x2x128xf32, #tpu.memory_space<vmem>>, vector<16xf32>,
    } {sc.loop_unroll_factor = 2 : i64, sc.parallel_access}
    %add3A_25 = arith.constant 0 : i32
    %add3A_26 = arith.addi %mul3A_2, %add3A_25 : i32
    %dma_start3A_27 = arith.constant 0 : i32
    %dma_start3A_28 = arith.constant 0 : i32
    %dma_start3A_29 = tpu.memref_slice %arg4[%add3A_26, %dma_start3A_27, %dma_start3A_28] : memref<2048x2x128xf32, #tpu.memory_space<hbm>> -> memref<32x2x128xf32, #tpu.memory_space<hbm>>
    %dma_start3A_30 = arith.constant 0 : i32
    %dma_start3A_31 = arith.constant 0 : i32
    %dma_start3A_32 = tpu.memref_slice %arg4[%add3A_26, %dma_start3A_30, %dma_start3A_31] : memref<2048x2x128xf32, #tpu.memory_space<hbm>> -> memref<32x2x128xf32, #tpu.memory_space<hbm>>
    tpu.enqueue_dma source(%arg5 : memref<32x2x128xf32, #tpu.memory_space<vmem>>) target(%dma_start3A_32 : memref<32x2x128xf32, #tpu.memory_space<hbm>>) target_semaphore(%arg10 : memref<!tpu.dma_semaphore, #tpu.memory_space<semaphore_mem>>)
    %dma_wait3A_33 = arith.constant 0 : i32
    %dma_wait3A_34 = arith.constant 0 : i32
    %dma_wait3A_35 = tpu.memref_slice %arg2[%add3A_11, %dma_wait3A_33, %dma_wait3A_34] : memref<2048x2x128xf32, #tpu.memory_space<hbm>> -> memref<32x2x128xf32, #tpu.memory_space<hbm>>
    %dma_wait3A_36 = arith.constant 0 : i32
    %dma_wait3A_37 = arith.constant 0 : i32
    %dma_wait3A_38 = tpu.memref_slice %arg2[%add3A_11, %dma_wait3A_36, %dma_wait3A_37] : memref<2048x2x128xf32, #tpu.memory_space<hbm>> -> memref<32x2x128xf32, #tpu.memory_space<hbm>>
    tpu.wait_dma2 semaphore(%arg9 : memref<!tpu.dma_semaphore, #tpu.memory_space<semaphore_mem>>) src(%dma_wait3A_38 : memref<32x2x128xf32, #tpu.memory_space<hbm>>) dst(%arg6 : memref<32x2x128xf32, #tpu.memory_space<vmem>>)
    %parallel_loop3A_39 = arith.constant 0 : i32
    %parallel_loop3A_40 = arith.constant 32 : i32
    %parallel_loop3A_41 = arith.constant 1 : i32
    scf.for %parallel_loop3A_62 = %parallel_loop3A_39 to %parallel_loop3A_40 step %parallel_loop3A_41  : i32 {
      %parallel_loop3A_63 = arith.constant 0 : i32
      %parallel_loop3A_64 = arith.index_cast %parallel_loop3A_62 : i32 to index
      %parallel_loop3A_65 = arith.index_cast %parallel_loop3A_63 : i32 to index
      %parallel_loop3A_66 = arith.constant 0 : index
      %parallel_loop3A_67 = tpu.vector_load %arg6[%parallel_loop3A_64, %parallel_loop3A_65, %parallel_loop3A_66] {strides = array<i32>} : memref<32x2x128xf32, #tpu.memory_space<vmem>>, vector<16xf32>,
      %parallel_loop3A_68 = arith.constant 1.280000e+02 : f32
      %parallel_loop3A_69 = vector.broadcast %parallel_loop3A_68 : f32 to vector<16xf32>
      %parallel_loop3A_70 = arith.mulf %parallel_loop3A_67, %parallel_loop3A_69 : vector<16xf32>
      %parallel_loop3A_71 = arith.constant 1.285000e+02 : f32
      %parallel_loop3A_72 = vector.broadcast %parallel_loop3A_71 : f32 to vector<16xf32>
      %parallel_loop3A_73 = arith.addf %parallel_loop3A_70, %parallel_loop3A_72 : vector<16xf32>
      %parallel_loop3A_74 = arith.constant 0.000000e+00 : f32
      %parallel_loop3A_75 = vector.broadcast %parallel_loop3A_74 : f32 to vector<16xf32>
      %parallel_loop3A_76 = arith.maximumf %parallel_loop3A_73, %parallel_loop3A_75 : vector<16xf32>
      %parallel_loop3A_77 = arith.constant 2.550000e+02 : f32
      %parallel_loop3A_78 = vector.broadcast %parallel_loop3A_77 : f32 to vector<16xf32>
      %parallel_loop3A_79 = arith.minimumf %parallel_loop3A_76, %parallel_loop3A_78 : vector<16xf32>
      %parallel_loop3A_80 = arith.fptosi %parallel_loop3A_79 : vector<16xf32> to vector<16xi32>
      %parallel_loop3A_81 = tpu.vector_load_idx %arg7[%parallel_loop3A_80] : memref<256xf32, #tpu.memory_space<vmem>>[vector<16xi32>], vector<16xf32>,
      %parallel_loop3A_82 = arith.constant 5.000000e-02 : f32
      %parallel_loop3A_83 = vector.broadcast %parallel_loop3A_82 : f32 to vector<16xf32>
      %parallel_loop3A_84 = arith.mulf %parallel_loop3A_81, %parallel_loop3A_83 : vector<16xf32>
      %parallel_loop3A_85 = arith.constant 1 : i32
      %parallel_loop3A_86 = arith.index_cast %parallel_loop3A_62 : i32 to index
      %parallel_loop3A_87 = arith.index_cast %parallel_loop3A_85 : i32 to index
      %parallel_loop3A_88 = arith.constant 0 : index
      %parallel_loop3A_89 = tpu.vector_load %arg6[%parallel_loop3A_86, %parallel_loop3A_87, %parallel_loop3A_88] {strides = array<i32>} : memref<32x2x128xf32, #tpu.memory_space<vmem>>, vector<16xf32>,
      tpu.vector_store %arg6[%parallel_loop3A_86, %parallel_loop3A_87, %parallel_loop3A_88], %parallel_loop3A_84 {add = true, strides = array<i32>} : memref<32x2x128xf32, #tpu.memory_space<vmem>>, vector<16xf32>,
      %parallel_loop3A_90 = arith.constant 0 : i32
      %parallel_loop3A_91 = arith.index_cast %parallel_loop3A_62 : i32 to index
      %parallel_loop3A_92 = arith.index_cast %parallel_loop3A_90 : i32 to index
      %parallel_loop3A_93 = arith.constant 16 : index
      %parallel_loop3A_94 = tpu.vector_load %arg6[%parallel_loop3A_91, %parallel_loop3A_92, %parallel_loop3A_93] {strides = array<i32>} : memref<32x2x128xf32, #tpu.memory_space<vmem>>, vector<16xf32>,
      %parallel_loop3A_95 = arith.constant 1.280000e+02 : f32
      %parallel_loop3A_96 = vector.broadcast %parallel_loop3A_95 : f32 to vector<16xf32>
      %parallel_loop3A_97 = arith.mulf %parallel_loop3A_94, %parallel_loop3A_96 : vector<16xf32>
      %parallel_loop3A_98 = arith.constant 1.285000e+02 : f32
      %parallel_loop3A_99 = vector.broadcast %parallel_loop3A_98 : f32 to vector<16xf32>
      %parallel_loop3A_100 = arith.addf %parallel_loop3A_97, %parallel_loop3A_99 : vector<16xf32>
      %parallel_loop3A_101 = arith.constant 0.000000e+00 : f32
      %parallel_loop3A_102 = vector.broadcast %parallel_loop3A_101 : f32 to vector<16xf32>
      %parallel_loop3A_103 = arith.maximumf %parallel_loop3A_100, %parallel_loop3A_102 : vector<16xf32>
      %parallel_loop3A_104 = arith.constant 2.550000e+02 : f32
      %parallel_loop3A_105 = vector.broadcast %parallel_loop3A_104 : f32 to vector<16xf32>
      %parallel_loop3A_106 = arith.minimumf %parallel_loop3A_103, %parallel_loop3A_105 : vector<16xf32>
      %parallel_loop3A_107 = arith.fptosi %parallel_loop3A_106 : vector<16xf32> to vector<16xi32>
      %parallel_loop3A_108 = tpu.vector_load_idx %arg7[%parallel_loop3A_107] : memref<256xf32, #tpu.memory_space<vmem>>[vector<16xi32>], vector<16xf32>,
      %parallel_loop3A_109 = arith.constant 5.000000e-02 : f32
      %parallel_loop3A_110 = vector.broadcast %parallel_loop3A_109 : f32 to vector<16xf32>
      %parallel_loop3A_111 = arith.mulf %parallel_loop3A_108, %parallel_loop3A_110 : vector<16xf32>
      %parallel_loop3A_112 = arith.constant 1 : i32
      %parallel_loop3A_113 = arith.index_cast %parallel_loop3A_62 : i32 to index
      %parallel_loop3A_114 = arith.index_cast %parallel_loop3A_112 : i32 to index
      %parallel_loop3A_115 = arith.constant 16 : index
      %parallel_loop3A_116 = tpu.vector_load %arg6[%parallel_loop3A_113, %parallel_loop3A_114, %parallel_loop3A_115] {strides = array<i32>} : memref<32x2x128xf32, #tpu.memory_space<vmem>>, vector<16xf32>,
      tpu.vector_store %arg6[%parallel_loop3A_113, %parallel_loop3A_114, %parallel_loop3A_115], %parallel_loop3A_111 {add = true, strides = array<i32>} : memref<32x2x128xf32, #tpu.memory_space<vmem>>, vector<16xf32>,
      %parallel_loop3A_117 = arith.constant 0 : i32
      %parallel_loop3A_118 = arith.index_cast %parallel_loop3A_62 : i32 to index
      %parallel_loop3A_119 = arith.index_cast %parallel_loop3A_117 : i32 to index
      %parallel_loop3A_120 = arith.constant 32 : index
      %parallel_loop3A_121 = tpu.vector_load %arg6[%parallel_loop3A_118, %parallel_loop3A_119, %parallel_loop3A_120] {strides = array<i32>} : memref<32x2x128xf32, #tpu.memory_space<vmem>>, vector<16xf32>,
      %parallel_loop3A_122 = arith.constant 1.280000e+02 : f32
      %parallel_loop3A_123 = vector.broadcast %parallel_loop3A_122 : f32 to vector<16xf32>
      %parallel_loop3A_124 = arith.mulf %parallel_loop3A_121, %parallel_loop3A_123 : vector<16xf32>
      %parallel_loop3A_125 = arith.constant 1.285000e+02 : f32
      %parallel_loop3A_126 = vector.broadcast %parallel_loop3A_125 : f32 to vector<16xf32>
      %parallel_loop3A_127 = arith.addf %parallel_loop3A_124, %parallel_loop3A_126 : vector<16xf32>
      %parallel_loop3A_128 = arith.constant 0.000000e+00 : f32
      %parallel_loop3A_129 = vector.broadcast %parallel_loop3A_128 : f32 to vector<16xf32>
      %parallel_loop3A_130 = arith.maximumf %parallel_loop3A_127, %parallel_loop3A_129 : vector<16xf32>
      %parallel_loop3A_131 = arith.constant 2.550000e+02 : f32
      %parallel_loop3A_132 = vector.broadcast %parallel_loop3A_131 : f32 to vector<16xf32>
      %parallel_loop3A_133 = arith.minimumf %parallel_loop3A_130, %parallel_loop3A_132 : vector<16xf32>
      %parallel_loop3A_134 = arith.fptosi %parallel_loop3A_133 : vector<16xf32> to vector<16xi32>
      %parallel_loop3A_135 = tpu.vector_load_idx %arg7[%parallel_loop3A_134] : memref<256xf32, #tpu.memory_space<vmem>>[vector<16xi32>], vector<16xf32>,
      %parallel_loop3A_136 = arith.constant 5.000000e-02 : f32
      %parallel_loop3A_137 = vector.broadcast %parallel_loop3A_136 : f32 to vector<16xf32>
      %parallel_loop3A_138 = arith.mulf %parallel_loop3A_135, %parallel_loop3A_137 : vector<16xf32>
      %parallel_loop3A_139 = arith.constant 1 : i32
      %parallel_loop3A_140 = arith.index_cast %parallel_loop3A_62 : i32 to index
      %parallel_loop3A_141 = arith.index_cast %parallel_loop3A_139 : i32 to index
      %parallel_loop3A_142 = arith.constant 32 : index
      %parallel_loop3A_143 = tpu.vector_load %arg6[%parallel_loop3A_140, %parallel_loop3A_141, %parallel_loop3A_142] {strides = array<i32>} : memref<32x2x128xf32, #tpu.memory_space<vmem>>, vector<16xf32>,
      tpu.vector_store %arg6[%parallel_loop3A_140, %parallel_loop3A_141, %parallel_loop3A_142], %parallel_loop3A_138 {add = true, strides = array<i32>} : memref<32x2x128xf32, #tpu.memory_space<vmem>>, vector<16xf32>,
      %parallel_loop3A_144 = arith.constant 0 : i32
      %parallel_loop3A_145 = arith.index_cast %parallel_loop3A_62 : i32 to index
      %parallel_loop3A_146 = arith.index_cast %parallel_loop3A_144 : i32 to index
      %parallel_loop3A_147 = arith.constant 48 : index
      %parallel_loop3A_148 = tpu.vector_load %arg6[%parallel_loop3A_145, %parallel_loop3A_146, %parallel_loop3A_147] {strides = array<i32>} : memref<32x2x128xf32, #tpu.memory_space<vmem>>, vector<16xf32>,
      %parallel_loop3A_149 = arith.constant 1.280000e+02 : f32
      %parallel_loop3A_150 = vector.broadcast %parallel_loop3A_149 : f32 to vector<16xf32>
      %parallel_loop3A_151 = arith.mulf %parallel_loop3A_148, %parallel_loop3A_150 : vector<16xf32>
      %parallel_loop3A_152 = arith.constant 1.285000e+02 : f32
      %parallel_loop3A_153 = vector.broadcast %parallel_loop3A_152 : f32 to vector<16xf32>
      %parallel_loop3A_154 = arith.addf %parallel_loop3A_151, %parallel_loop3A_153 : vector<16xf32>
      %parallel_loop3A_155 = arith.constant 0.000000e+00 : f32
      %parallel_loop3A_156 = vector.broadcast %parallel_loop3A_155 : f32 to vector<16xf32>
      %parallel_loop3A_157 = arith.maximumf %parallel_loop3A_154, %parallel_loop3A_156 : vector<16xf32>
      %parallel_loop3A_158 = arith.constant 2.550000e+02 : f32
      %parallel_loop3A_159 = vector.broadcast %parallel_loop3A_158 : f32 to vector<16xf32>
      %parallel_loop3A_160 = arith.minimumf %parallel_loop3A_157, %parallel_loop3A_159 : vector<16xf32>
      %parallel_loop3A_161 = arith.fptosi %parallel_loop3A_160 : vector<16xf32> to vector<16xi32>
      %parallel_loop3A_162 = tpu.vector_load_idx %arg7[%parallel_loop3A_161] : memref<256xf32, #tpu.memory_space<vmem>>[vector<16xi32>], vector<16xf32>,
      %parallel_loop3A_163 = arith.constant 5.000000e-02 : f32
      %parallel_loop3A_164 = vector.broadcast %parallel_loop3A_163 : f32 to vector<16xf32>
      %parallel_loop3A_165 = arith.mulf %parallel_loop3A_162, %parallel_loop3A_164 : vector<16xf32>
      %parallel_loop3A_166 = arith.constant 1 : i32
      %parallel_loop3A_167 = arith.index_cast %parallel_loop3A_62 : i32 to index
      %parallel_loop3A_168 = arith.index_cast %parallel_loop3A_166 : i32 to index
      %parallel_loop3A_169 = arith.constant 48 : index
      %parallel_loop3A_170 = tpu.vector_load %arg6[%parallel_loop3A_167, %parallel_loop3A_168, %parallel_loop3A_169] {strides = array<i32>} : memref<32x2x128xf32, #tpu.memory_space<vmem>>, vector<16xf32>,
      tpu.vector_store %arg6[%parallel_loop3A_167, %parallel_loop3A_168, %parallel_loop3A_169], %parallel_loop3A_165 {add = true, strides = array<i32>} : memref<32x2x128xf32, #tpu.memory_space<vmem>>, vector<16xf32>,
      %parallel_loop3A_171 = arith.constant 0 : i32
      %parallel_loop3A_172 = arith.index_cast %parallel_loop3A_62 : i32 to index
      %parallel_loop3A_173 = arith.index_cast %parallel_loop3A_171 : i32 to index
      %parallel_loop3A_174 = arith.constant 64 : index
      %parallel_loop3A_175 = tpu.vector_load %arg6[%parallel_loop3A_172, %parallel_loop3A_173, %parallel_loop3A_174] {strides = array<i32>} : memref<32x2x128xf32, #tpu.memory_space<vmem>>, vector<16xf32>,
      %parallel_loop3A_176 = arith.constant 1.280000e+02 : f32
      %parallel_loop3A_177 = vector.broadcast %parallel_loop3A_176 : f32 to vector<16xf32>
      %parallel_loop3A_178 = arith.mulf %parallel_loop3A_175, %parallel_loop3A_177 : vector<16xf32>
      %parallel_loop3A_179 = arith.constant 1.285000e+02 : f32
      %parallel_loop3A_180 = vector.broadcast %parallel_loop3A_179 : f32 to vector<16xf32>
      %parallel_loop3A_181 = arith.addf %parallel_loop3A_178, %parallel_loop3A_180 : vector<16xf32>
      %parallel_loop3A_182 = arith.constant 0.000000e+00 : f32
      %parallel_loop3A_183 = vector.broadcast %parallel_loop3A_182 : f32 to vector<16xf32>
      %parallel_loop3A_184 = arith.maximumf %parallel_loop3A_181, %parallel_loop3A_183 : vector<16xf32>
      %parallel_loop3A_185 = arith.constant 2.550000e+02 : f32
      %parallel_loop3A_186 = vector.broadcast %parallel_loop3A_185 : f32 to vector<16xf32>
      %parallel_loop3A_187 = arith.minimumf %parallel_loop3A_184, %parallel_loop3A_186 : vector<16xf32>
      %parallel_loop3A_188 = arith.fptosi %parallel_loop3A_187 : vector<16xf32> to vector<16xi32>
      %parallel_loop3A_189 = tpu.vector_load_idx %arg7[%parallel_loop3A_188] : memref<256xf32, #tpu.memory_space<vmem>>[vector<16xi32>], vector<16xf32>,
      %parallel_loop3A_190 = arith.constant 5.000000e-02 : f32
      %parallel_loop3A_191 = vector.broadcast %parallel_loop3A_190 : f32 to vector<16xf32>
      %parallel_loop3A_192 = arith.mulf %parallel_loop3A_189, %parallel_loop3A_191 : vector<16xf32>
      %parallel_loop3A_193 = arith.constant 1 : i32
      %parallel_loop3A_194 = arith.index_cast %parallel_loop3A_62 : i32 to index
      %parallel_loop3A_195 = arith.index_cast %parallel_loop3A_193 : i32 to index
      %parallel_loop3A_196 = arith.constant 64 : index
      %parallel_loop3A_197 = tpu.vector_load %arg6[%parallel_loop3A_194, %parallel_loop3A_195, %parallel_loop3A_196] {strides = array<i32>} : memref<32x2x128xf32, #tpu.memory_space<vmem>>, vector<16xf32>,
      tpu.vector_store %arg6[%parallel_loop3A_194, %parallel_loop3A_195, %parallel_loop3A_196], %parallel_loop3A_192 {add = true, strides = array<i32>} : memref<32x2x128xf32, #tpu.memory_space<vmem>>, vector<16xf32>,
      %parallel_loop3A_198 = arith.constant 0 : i32
      %parallel_loop3A_199 = arith.index_cast %parallel_loop3A_62 : i32 to index
      %parallel_loop3A_200 = arith.index_cast %parallel_loop3A_198 : i32 to index
      %parallel_loop3A_201 = arith.constant 80 : index
      %parallel_loop3A_202 = tpu.vector_load %arg6[%parallel_loop3A_199, %parallel_loop3A_200, %parallel_loop3A_201] {strides = array<i32>} : memref<32x2x128xf32, #tpu.memory_space<vmem>>, vector<16xf32>,
      %parallel_loop3A_203 = arith.constant 1.280000e+02 : f32
      %parallel_loop3A_204 = vector.broadcast %parallel_loop3A_203 : f32 to vector<16xf32>
      %parallel_loop3A_205 = arith.mulf %parallel_loop3A_202, %parallel_loop3A_204 : vector<16xf32>
      %parallel_loop3A_206 = arith.constant 1.285000e+02 : f32
      %parallel_loop3A_207 = vector.broadcast %parallel_loop3A_206 : f32 to vector<16xf32>
      %parallel_loop3A_208 = arith.addf %parallel_loop3A_205, %parallel_loop3A_207 : vector<16xf32>
      %parallel_loop3A_209 = arith.constant 0.000000e+00 : f32
      %parallel_loop3A_210 = vector.broadcast %parallel_loop3A_209 : f32 to vector<16xf32>
      %parallel_loop3A_211 = arith.maximumf %parallel_loop3A_208, %parallel_loop3A_210 : vector<16xf32>
      %parallel_loop3A_212 = arith.constant 2.550000e+02 : f32
      %parallel_loop3A_213 = vector.broadcast %parallel_loop3A_212 : f32 to vector<16xf32>
      %parallel_loop3A_214 = arith.minimumf %parallel_loop3A_211, %parallel_loop3A_213 : vector<16xf32>
      %parallel_loop3A_215 = arith.fptosi %parallel_loop3A_214 : vector<16xf32> to vector<16xi32>
      %parallel_loop3A_216 = tpu.vector_load_idx %arg7[%parallel_loop3A_215] : memref<256xf32, #tpu.memory_space<vmem>>[vector<16xi32>], vector<16xf32>,
      %parallel_loop3A_217 = arith.constant 5.000000e-02 : f32
      %parallel_loop3A_218 = vector.broadcast %parallel_loop3A_217 : f32 to vector<16xf32>
      %parallel_loop3A_219 = arith.mulf %parallel_loop3A_216, %parallel_loop3A_218 : vector<16xf32>
      %parallel_loop3A_220 = arith.constant 1 : i32
      %parallel_loop3A_221 = arith.index_cast %parallel_loop3A_62 : i32 to index
      %parallel_loop3A_222 = arith.index_cast %parallel_loop3A_220 : i32 to index
      %parallel_loop3A_223 = arith.constant 80 : index
      %parallel_loop3A_224 = tpu.vector_load %arg6[%parallel_loop3A_221, %parallel_loop3A_222, %parallel_loop3A_223] {strides = array<i32>} : memref<32x2x128xf32, #tpu.memory_space<vmem>>, vector<16xf32>,
      tpu.vector_store %arg6[%parallel_loop3A_221, %parallel_loop3A_222, %parallel_loop3A_223], %parallel_loop3A_219 {add = true, strides = array<i32>} : memref<32x2x128xf32, #tpu.memory_space<vmem>>, vector<16xf32>,
      %parallel_loop3A_225 = arith.constant 0 : i32
      %parallel_loop3A_226 = arith.index_cast %parallel_loop3A_62 : i32 to index
      %parallel_loop3A_227 = arith.index_cast %parallel_loop3A_225 : i32 to index
      %parallel_loop3A_228 = arith.constant 96 : index
      %parallel_loop3A_229 = tpu.vector_load %arg6[%parallel_loop3A_226, %parallel_loop3A_227, %parallel_loop3A_228] {strides = array<i32>} : memref<32x2x128xf32, #tpu.memory_space<vmem>>, vector<16xf32>,
      %parallel_loop3A_230 = arith.constant 1.280000e+02 : f32
      %parallel_loop3A_231 = vector.broadcast %parallel_loop3A_230 : f32 to vector<16xf32>
      %parallel_loop3A_232 = arith.mulf %parallel_loop3A_229, %parallel_loop3A_231 : vector<16xf32>
      %parallel_loop3A_233 = arith.constant 1.285000e+02 : f32
      %parallel_loop3A_234 = vector.broadcast %parallel_loop3A_233 : f32 to vector<16xf32>
      %parallel_loop3A_235 = arith.addf %parallel_loop3A_232, %parallel_loop3A_234 : vector<16xf32>
      %parallel_loop3A_236 = arith.constant 0.000000e+00 : f32
      %parallel_loop3A_237 = vector.broadcast %parallel_loop3A_236 : f32 to vector<16xf32>
      %parallel_loop3A_238 = arith.maximumf %parallel_loop3A_235, %parallel_loop3A_237 : vector<16xf32>
      %parallel_loop3A_239 = arith.constant 2.550000e+02 : f32
      %parallel_loop3A_240 = vector.broadcast %parallel_loop3A_239 : f32 to vector<16xf32>
      %parallel_loop3A_241 = arith.minimumf %parallel_loop3A_238, %parallel_loop3A_240 : vector<16xf32>
      %parallel_loop3A_242 = arith.fptosi %parallel_loop3A_241 : vector<16xf32> to vector<16xi32>
      %parallel_loop3A_243 = tpu.vector_load_idx %arg7[%parallel_loop3A_242] : memref<256xf32, #tpu.memory_space<vmem>>[vector<16xi32>], vector<16xf32>,
      %parallel_loop3A_244 = arith.constant 5.000000e-02 : f32
      %parallel_loop3A_245 = vector.broadcast %parallel_loop3A_244 : f32 to vector<16xf32>
      %parallel_loop3A_246 = arith.mulf %parallel_loop3A_243, %parallel_loop3A_245 : vector<16xf32>
      %parallel_loop3A_247 = arith.constant 1 : i32
      %parallel_loop3A_248 = arith.index_cast %parallel_loop3A_62 : i32 to index
      %parallel_loop3A_249 = arith.index_cast %parallel_loop3A_247 : i32 to index
      %parallel_loop3A_250 = arith.constant 96 : index
      %parallel_loop3A_251 = tpu.vector_load %arg6[%parallel_loop3A_248, %parallel_loop3A_249, %parallel_loop3A_250] {strides = array<i32>} : memref<32x2x128xf32, #tpu.memory_space<vmem>>, vector<16xf32>,
      tpu.vector_store %arg6[%parallel_loop3A_248, %parallel_loop3A_249, %parallel_loop3A_250], %parallel_loop3A_246 {add = true, strides = array<i32>} : memref<32x2x128xf32, #tpu.memory_space<vmem>>, vector<16xf32>,
      %parallel_loop3A_252 = arith.constant 0 : i32
      %parallel_loop3A_253 = arith.index_cast %parallel_loop3A_62 : i32 to index
      %parallel_loop3A_254 = arith.index_cast %parallel_loop3A_252 : i32 to index
      %parallel_loop3A_255 = arith.constant 112 : index
      %parallel_loop3A_256 = tpu.vector_load %arg6[%parallel_loop3A_253, %parallel_loop3A_254, %parallel_loop3A_255] {strides = array<i32>} : memref<32x2x128xf32, #tpu.memory_space<vmem>>, vector<16xf32>,
      %parallel_loop3A_257 = arith.constant 1.280000e+02 : f32
      %parallel_loop3A_258 = vector.broadcast %parallel_loop3A_257 : f32 to vector<16xf32>
      %parallel_loop3A_259 = arith.mulf %parallel_loop3A_256, %parallel_loop3A_258 : vector<16xf32>
      %parallel_loop3A_260 = arith.constant 1.285000e+02 : f32
      %parallel_loop3A_261 = vector.broadcast %parallel_loop3A_260 : f32 to vector<16xf32>
      %parallel_loop3A_262 = arith.addf %parallel_loop3A_259, %parallel_loop3A_261 : vector<16xf32>
      %parallel_loop3A_263 = arith.constant 0.000000e+00 : f32
      %parallel_loop3A_264 = vector.broadcast %parallel_loop3A_263 : f32 to vector<16xf32>
      %parallel_loop3A_265 = arith.maximumf %parallel_loop3A_262, %parallel_loop3A_264 : vector<16xf32>
      %parallel_loop3A_266 = arith.constant 2.550000e+02 : f32
      %parallel_loop3A_267 = vector.broadcast %parallel_loop3A_266 : f32 to vector<16xf32>
      %parallel_loop3A_268 = arith.minimumf %parallel_loop3A_265, %parallel_loop3A_267 : vector<16xf32>
      %parallel_loop3A_269 = arith.fptosi %parallel_loop3A_268 : vector<16xf32> to vector<16xi32>
      %parallel_loop3A_270 = tpu.vector_load_idx %arg7[%parallel_loop3A_269] : memref<256xf32, #tpu.memory_space<vmem>>[vector<16xi32>], vector<16xf32>,
      %parallel_loop3A_271 = arith.constant 5.000000e-02 : f32
      %parallel_loop3A_272 = vector.broadcast %parallel_loop3A_271 : f32 to vector<16xf32>
      %parallel_loop3A_273 = arith.mulf %parallel_loop3A_270, %parallel_loop3A_272 : vector<16xf32>
      %parallel_loop3A_274 = arith.constant 1 : i32
      %parallel_loop3A_275 = arith.index_cast %parallel_loop3A_62 : i32 to index
      %parallel_loop3A_276 = arith.index_cast %parallel_loop3A_274 : i32 to index
      %parallel_loop3A_277 = arith.constant 112 : index
      %parallel_loop3A_278 = tpu.vector_load %arg6[%parallel_loop3A_275, %parallel_loop3A_276, %parallel_loop3A_277] {strides = array<i32>} : memref<32x2x128xf32, #tpu.memory_space<vmem>>, vector<16xf32>,
      tpu.vector_store %arg6[%parallel_loop3A_275, %parallel_loop3A_276, %parallel_loop3A_277], %parallel_loop3A_273 {add = true, strides = array<i32>} : memref<32x2x128xf32, #tpu.memory_space<vmem>>, vector<16xf32>,
    } {sc.loop_unroll_factor = 2 : i64, sc.parallel_access}
    %add3A_42 = arith.constant 32 : i32
    %add3A_43 = arith.addi %mul3A_2, %add3A_42 : i32
    %dma_start3A_44 = arith.constant 0 : i32
    %dma_start3A_45 = arith.constant 0 : i32
    %dma_start3A_46 = tpu.memref_slice %arg4[%add3A_43, %dma_start3A_44, %dma_start3A_45] : memref<2048x2x128xf32, #tpu.memory_space<hbm>> -> memref<32x2x128xf32, #tpu.memory_space<hbm>>
    %dma_start3A_47 = arith.constant 0 : i32
    %dma_start3A_48 = arith.constant 0 : i32
    %dma_start3A_49 = tpu.memref_slice %arg4[%add3A_43, %dma_start3A_47, %dma_start3A_48] : memref<2048x2x128xf32, #tpu.memory_space<hbm>> -> memref<32x2x128xf32, #tpu.memory_space<hbm>>
    tpu.enqueue_dma source(%arg6 : memref<32x2x128xf32, #tpu.memory_space<vmem>>) target(%dma_start3A_49 : memref<32x2x128xf32, #tpu.memory_space<hbm>>) target_semaphore(%arg11 : memref<!tpu.dma_semaphore, #tpu.memory_space<semaphore_mem>>)
    %dma_wait3A_50 = arith.constant 0 : i32
    %dma_wait3A_51 = arith.constant 0 : i32
    %dma_wait3A_52 = tpu.memref_slice %arg4[%add3A_26, %dma_wait3A_50, %dma_wait3A_51] : memref<2048x2x128xf32, #tpu.memory_space<hbm>> -> memref<32x2x128xf32, #tpu.memory_space<hbm>>
    %dma_wait3A_53 = arith.constant 0 : i32
    %dma_wait3A_54 = arith.constant 0 : i32
    %dma_wait3A_55 = tpu.memref_slice %arg4[%add3A_26, %dma_wait3A_53, %dma_wait3A_54] : memref<2048x2x128xf32, #tpu.memory_space<hbm>> -> memref<32x2x128xf32, #tpu.memory_space<hbm>>
    tpu.wait_dma2 semaphore(%arg10 : memref<!tpu.dma_semaphore, #tpu.memory_space<semaphore_mem>>) src(%arg5 : memref<32x2x128xf32, #tpu.memory_space<vmem>>) dst(%dma_wait3A_55 : memref<32x2x128xf32, #tpu.memory_space<hbm>>)
    %dma_wait3A_56 = arith.constant 0 : i32
    %dma_wait3A_57 = arith.constant 0 : i32
    %dma_wait3A_58 = tpu.memref_slice %arg4[%add3A_43, %dma_wait3A_56, %dma_wait3A_57] : memref<2048x2x128xf32, #tpu.memory_space<hbm>> -> memref<32x2x128xf32, #tpu.memory_space<hbm>>
    %dma_wait3A_59 = arith.constant 0 : i32
    %dma_wait3A_60 = arith.constant 0 : i32
    %dma_wait3A_61 = tpu.memref_slice %arg4[%add3A_43, %dma_wait3A_59, %dma_wait3A_60] : memref<2048x2x128xf32, #tpu.memory_space<hbm>> -> memref<32x2x128xf32, #tpu.memory_space<hbm>>
    tpu.wait_dma2 semaphore(%arg11 : memref<!tpu.dma_semaphore, #tpu.memory_space<semaphore_mem>>) src(%arg6 : memref<32x2x128xf32, #tpu.memory_space<vmem>>) dst(%dma_wait3A_61 : memref<32x2x128xf32, #tpu.memory_space<hbm>>)
    return
  }
}

</mosaic_0001>

<sc_bundles>
// kernel: kernel.3.cloned.1.call-start
scs
__scs_entry_jumppad:
0x0: {  	(pc) =	sbr.rel $0x88, $3  }
0x1: {  	(tag) =	ssettag $0x0;
	lr =	simm.s32 $0x1  }
0x2: {  	[smem:$0x3F9F] =	sst lr;
	_ =	strace $0xD0000000  }
0x3: {  	_ = 	snop  }
0x4: {  	_ = 	snop  }
0x5: {  	_ = 	snop  }
0x6: {  	_ = 	snop  }
0x7: {  	_ = 	snop  }
__scs_overlays_trampoline_lowered:
0x8: {  	[smem:$0x3FAE] =	sst s0  }
0x9: {  	[smem:$0x3FAF] =	sst s1  }
0xa: {  	[smem:$0x3FB0] =	sst s2  }
0xb: {  	[smem:$0x3FB1] =	sst s3  }
0xc: {  	[smem:$0x3FB2] =	sst s4  }
0xd: {  	[smem:$0x3FB3] =	sst s5  }
0xe: {  	[smem:$0x3FB4] =	sst s6  }
0xf: {  	[smem:$0x3FB5] =	sst s7  }
0x10: {  	[smem:$0x3FB6] =	sst s8  }
0x11: {  	[smem:$0x3FB7] =	sst s9;
	s0 =	simm.s32 @!p0 $0x0  }
0x12: {  	s1 =	sld [smem:$0x3F9D];
	s0 =	simm.s32 @p0 $0x1  }
0x13: {  	[smem:$0x3FB8] =	sst s0;
	s0 =	simm.s32 @!p1 $0x0  }
0x14: {  	s2 =	sld [smem:$0x3F9C];
	s0 =	simm.s32 @p1 $0x1  }
0x15: {  	[smem:$0x3FB9] =	sst s0;
	s0 =	simm.s32 @!p2 $0x0  }
0x16: {  	s3 =	sld [smem:$0x3FDB];
	s0 =	simm.s32 @p2 $0x1  }
0x17: {  	s4 =	simm.s32 $0x1BF5;
	[smem:$0x3FBB] =	sst s0  }
0x18: {  	s0 =	sld [smem:$0x3F9E];
	_ =	swait.ge [sflag:s4], $0x0  }
0x19: {  	s7 =	sld [smem:$0x3F9F]  }
0x1a: {  	s8 =	sadd.s32 $0xFFFFE003, lr  }
0x1b: {  	s9 =	sadd.s32 $0xFFFFFEF7, lr;
	s5 =	simm.s32 $0xFFFFFFFF;
	p2 =	slt.u32 s8, $0xFFFFF086  }
0x1c: {  	p1 =	slt.u32 s9, $0xF7A;
	s5 =	simm.s32 @!p2 $0x0  }
0x1d: {  	s5 =	simm.s32 @p1 $0x1;
	p0 =	seq.s32 s7, s2  }
0x1e: {  	s7 =	smul.u32 @!p0 $0xF7A, s2;
	p2 =	seq.s32 @!p0 s5, $0x0  }
0x1f: {  	s9 =	smul.u32 $0xF7A, s1;
	s8 =	simm.s32 @!p0 $0x1BF5;
	p2 =	por !p2, p0  }
0x20: {  	[sflag:s8] =	ssyncset.s32 @!p0 $0xFFFFF086;
	s6 =	sadd.s32 @!p0 s3, s7;
	s7 =	simm.s32 @!p0 $0x108  }
0x21: {  	s3 =	sadd.s32 s3, s9;
	s6 =	sadd.s32 @!p0 $0x88, s6;
	s7 =	simm.s32 @p2 $0x1082  }
0x22: {  	[simem:s7], [sflag:s8] =	dma.local @!p0 [hbm:s6], $0xF7A  }
0x23: {  	s9 =	sor.u32 $0xD0000000, s2;
	s6 =	simm.s32 $0x108;
	_ =	swait.ge @!p0 [sflag:s8], $0x0  }
0x24: {  	s3 =	sadd.s32 $0x88, s3;
	s6 =	simm.s32 @!p1 $0x1082;
	[sflag:s4] =	ssyncset.s32 $0xFFFFF086  }
0x25: {  	[simem:s6], [sflag:s4] =	dma.local [hbm:s3], $0xF7A  }
0x26: {  	[smem:$0x3F9F] =	sst s1;
	(tag) =	ssettag s2;
	_ =	strace s9  }
0x27: {  	s1 =	sld [smem:$0x3FAF]  }
0x28: {  	s2 =	sld [smem:$0x3FB0]  }
0x29: {  	s4 =	sld [smem:$0x3FB2]  }
0x2a: {  	p0 =	seq.s32 s5, $0x0;
	s5 =	sld [smem:$0x3FB3]  }
0x2b: {  	s6 =	sld [smem:$0x3FB4]  }
0x2c: {  	s7 =	sld [smem:$0x3FB5]  }
0x2d: {  	s3 =	simm.s32 $0x108;
	s8 =	sld [smem:$0x3FB6]  }
0x2e: {  	s3 =	simm.s32 @!p0 $0x1082;
	s9 =	sld [smem:$0x3FB7]  }
0x2f: {  	lr =	sadd.s32 s0, s3;
	s0 =	sld [smem:$0x3FAE]  }
0x30: {  	s3 =	sld [smem:$0x3FB1]  }
0x31: {  	[smem:$0x3FBA] =	sst s10  }
0x32: {  	s10 =	sld [smem:$0x3FB8];
	_ =	sdelay $0x3  }
0x33: {  	p0 =	seq.s32 s10, $0x1;
	s10 =	sld [smem:$0x3FBA];
	_ =	sdelay $0x3  }
0x34: {  	[smem:$0x3FBA] =	sst s10  }
0x35: {  	s10 =	sld [smem:$0x3FB9];
	_ =	sdelay $0x3  }
0x36: {  	p1 =	seq.s32 s10, $0x1;
	s10 =	sld [smem:$0x3FBA];
	_ =	sdelay $0x3  }
0x37: {  	[smem:$0x3FBA] =	sst s10  }
0x38: {  	s10 =	sld [smem:$0x3FBB]  }
0x39: {  	_ = 	snop;
	(pc) =	sbr.ind lr, $3  }
0x3a: {  	_ = 	snop  }
0x3b: {  	_ = 	snop  }
0x3c: {  	p2 =	seq.s32 s10, $0x1;
	s10 =	sld [smem:$0x3FBA]  }
0x3d: {  	_ =	shalt  }
0x3e: {  	_ =	shalt  }
0x3f: {  	_ =	shalt  }
0x40: {  	_ =	shalt  }
0x41: {  	_ =	shalt  }
0x42: {  	_ =	shalt  }
0x43: {  	_ =	shalt  }
0x44: {  	_ =	shalt  }
0x45: {  	_ =	shalt  }
0x46: {  	_ =	shalt  }
0x47: {  	_ =	shalt  }
0x48: {  	_ =	shalt  }
0x49: {  	_ =	shalt  }
0x4a: {  	_ =	shalt  }
0x4b: {  	_ =	shalt  }
0x4c: {  	_ =	shalt  }
0x4d: {  	_ =	shalt  }
0x4e: {  	_ =	shalt  }
0x4f: {  	_ =	shalt  }
0x50: {  	_ =	shalt  }
0x51: {  	_ =	shalt  }
0x52: {  	_ =	shalt  }
0x53: {  	_ =	shalt  }
0x54: {  	_ =	shalt  }
0x55: {  	_ =	shalt  }
0x56: {  	_ =	shalt  }
0x57: {  	_ =	shalt  }
0x58: {  	_ =	shalt  }
0x59: {  	_ =	shalt  }
0x5a: {  	_ =	shalt  }
0x5b: {  	_ =	shalt  }
0x5c: {  	_ =	shalt  }
0x5d: {  	_ =	shalt  }
0x5e: {  	_ =	shalt  }
0x5f: {  	_ =	shalt  }
0x60: {  	_ =	shalt  }
0x61: {  	_ =	shalt  }
0x62: {  	_ =	shalt  }
0x63: {  	_ =	shalt  }
0x64: {  	_ =	shalt  }
0x65: {  	_ =	shalt  }
0x66: {  	_ =	shalt  }
0x67: {  	_ =	shalt  }
0x68: {  	_ =	shalt  }
0x69: {  	_ =	shalt  }
0x6a: {  	_ =	shalt  }
0x6b: {  	_ =	shalt  }
0x6c: {  	_ =	shalt  }
0x6d: {  	_ =	shalt  }
0x6e: {  	_ =	shalt  }
0x6f: {  	_ =	shalt  }
0x70: {  	_ =	shalt  }
0x71: {  	_ =	shalt  }
0x72: {  	_ =	shalt  }
0x73: {  	_ =	shalt  }
0x74: {  	_ =	shalt  }
0x75: {  	_ =	shalt  }
0x76: {  	_ =	shalt  }
0x77: {  	_ =	shalt  }
0x78: {  	_ =	shalt  }
0x79: {  	_ =	shalt  }
0x7a: {  	_ =	shalt  }
0x7b: {  	_ =	shalt  }
0x7c: {  	_ =	shalt  }
0x7d: {  	_ =	shalt  }
0x7e: {  	_ =	shalt  }
0x7f: {  	_ =	shalt  }
0x80: {  	_ =	shalt  }
0x81: {  	_ =	shalt  }
0x82: {  	_ =	shalt  }
0x83: {  	_ =	shalt  }
0x84: {  	_ =	shalt  }
0x85: {  	_ =	shalt  }
0x86: {  	_ =	shalt  }
0x87: {  	_ =	shalt  }
.Lfunc_end0:
.L_simem_size_0:
called_computation_lowered:
.L_overlay_start_0:
0x88: {  	s2 =	sld [smem:$0x3FD9]  }
0x89: {  	s3 =	sld [smem:$0x3FFE];
	_ =	sdelay $0x1  }
0x8a: {  	s1 =	srdreg.scid  }
0x8b: {  	s0 =	sand.u32 $0x1, s1  }
0x8c: {  	s18 =	sshll.u32 s0, $0xA;
	s2 =	sadd.s32 s3, s2  }
0x8d: {  	s2 =	sadd.s32 s2, s18  }
0x8e: {  	[smem:$0x3FC6] =	sst s2  }
0x8f: {  	_ = 	snop  }
0x90: {  	s2 =	sld [smem:$0x3FC9]  }
0x91: {  	s19 =	sld [smem:$0x3FC8]  }
0x92: {  	s4 =	sld [smem:$0x3FD0];
	(tm) =	ssettm $0x1  }
0x93: {  	s5 =	sld [smem:$0x3FFB];
	_ =	sdelay $0x3  }
0x94: {  	_ =	strace s5  }
0x95: {  	s5 =	sld [smem:$0x3FFC];
	_ =	sdelay $0x3  }
0x96: {  	_ =	strace s5  }
0x97: {  	s5 =	sld [smem:$0x3FFD];
	_ =	sdelay $0x3  }
0x98: {  	_ =	strace s5  }
0x99: {  	_ =	strace $0x8FFFFFFF  }
0x9a: {  	s20 =	sld [smem:$0x3FDB];
	_ =	sdelay $0x1  }
0x9b: {  	s6 =	simm.s32 $_scs_section_size  }
0x9c: {  	s7 =	simm.s32 $_size__tile_overlayer_lowered;
	s8 =	simm.s32 $_tile_overlayer_lowered  }
0x9d: {  	s23 =	simm.s32 $0x1BFF;
	s22 =	sshll.u32 s8, $0x1;
	s5 =	sadd.s32 s6, s20  }
0x9e: {  	s9 =	simm.s32 $0x0;
	s21 =	sshll.u32 s7, $0x1;
	s7 =	sadd.s32 s22, s5  }
0x9f: {  	[timem:s9], [sflag:s23] =	dma.local [hbm:s7], s21  }
0xa0: {  	_ =	swait.ge [sflag:s23], s21  }
0xa1: {  	s6 =	ssub.s32 $0x0, s21;
	[sflag:s23] =	ssyncset.done $0x0  }
0xa2: {  	[sflag:s23] =	ssyncadd.s32 s6;
	_ =	sdelay $0x1  }
0xa3: {  	s24 =	simm.s32 $0x1B8B  }
0xa4: {  	_ =	swait.ge [sflag:s24], $0x1  }
0xa5: {  	[sflag:s24] =	ssyncset.done $0x0  }
0xa6: {  	s25 =	simm.s32 $0x1B8E;
	[sflag:s24] =	ssyncadd.s32 $0xFFFFFFFF  }
0xa7: {  	s26 =	simm.s32 $execute0_lowered;
	[smem:$0x3FD2] =	sst s25  }
0xa8: {  	s6 =	sshll.u32 s26, $0x1;
	_ =	strace $0x80000046;
	[dreg:$0x1] =	wrdreg $0xFFFFFFFF  }
0xa9: {  	s28 =	simm.s32 $_size_execute0_lowered;
	s5 =	sadd.s32 s5, s6;
	[dreg:$0x0] =	wrdreg $0x0  }
0xaa: {  	s6 =	sshll.u32 s28, $0x1;
	[dreg:$0x2] =	wrdreg s5  }
0xab: {  	[dreg:$0x3] =	wrdreg s6  }
0xac: {  	[dreg:$0x4] =	wrdreg $0xC0  }
0xad: {  	_ =	task [dreg:s9], $0x5FFFF  }
0xae: {  	[dreg:$0x1] =	wrdreg $0xFFFFFFFF  }
0xaf: {  	[dreg:$0x0] =	wrdreg $0x60  }
0xb0: {  	[dreg:$0x2] =	wrdreg s2  }
0xb1: {  	[dreg:$0x3] =	wrdreg s19  }
0xb2: {  	[dreg:$0x4] =	wrdreg s4  }
0xb3: {  	[dreg:$0x5] =	wrdreg $0x9  }
0xb4: {  	_ =	task.clear_ibuf [dreg:s9], $0x6FFFF;
	_ =	strace $0x90000046  }
0xb5: {  	s29 =	simm.s32 $0x9;
	_ =	strace $0x80000048  }
0xb6: {  	_ =	swait.ge [sflag:s29], $0x1  }
0xb7: {  	[sflag:s29] =	ssyncadd.s32 $0xFFFFFFFF  }
0xb8: {  	_ =	strace $0x90000048  }
0xb9: {  	_ =	sfence  }
0xba: {  	s30 =	sld [smem:$0x0];
	_ =	sdelay $0x2  }
0xbb: {  	s31 =	sshll.u32 s1, $0xD;
	s1 =	sshrl.u32 s1, $0x2  }
0xbc: {  	s3 =	sand.u32 $0x4000, s31;
	s1 =	sadd.s32 s1, s30  }
0xbd: {  	s0 =	sor.u32 s3, s0;
	s1 =	sshll.u32 s1, $0x11  }
0xbe: {  	s0 =	sor.u32 s1, s0  }
0xbf: {  	s0 =	sadd.s32 $0x8F2B, s0  }
0xc0: {  	[sflag:s0] =	ssyncadd.remote.s32 $0x1  }
0xc1: {  	_ =	sfence.sel $0xFFFF  }
0xc2: {  	[dreg:$0x0] =	wrdreg $0xFFFFFFFF;
	(pc) =	sbr.abs _section_cstart, $3  }
0xc3: {  	[dreg:$0x1] =	wrdreg $0xFFFFFFFF  }
0xc4: {  	_ =	task.clear_ibuf [dreg:s9], $0x2FFFF;
	_ =	strace $0x9FFFFFFF  }
0xc5: {  	(tm) =	ssettm $0x7FFFFFFF  }
tec
execute0_lowered:
.L_overlay_start_1:
0x0: {  	(tag) =	ssettag $0x1  }
0x1: {  	s5 =	rddreg [dreg:$0x0]  }
0x2: {  	s1 =	rddreg [dreg:$0x1]  }
0x3: {  	s7 =	rddreg [dreg:$0x2]  }
0x4: {  	s0 =	rddreg [dreg:$0x3];
	s3 =	simm.s32 $0x0;
	s4 =	srdreg.scid  }
0x5: {  	s2 =	stileid.u32;
	s11 =	simm.s32 $0x5;
	s12 =	simm.s32 $0x1  }
0x6: {  	s13 =	simm.s32 $0x2;
	s14 =	simm.s32 $0x3;
	s15 =	simm.s32 $0x4  }
0x7: {  	s16 =	simm.s32 $0x0;
	[smem:$0x7FF] =	sst s3;
	s4 =	sand.u32 $0x1, s4  }
0x8: {  	s8 =	sshll.u32 s2, $0xC;
	s6 =	ssub.s32 $0x2, s4;
	s4 =	sshll.u32 s4, $0xB  }
0x9: {  	_ =	strace $0x80000047;
	s9 =	sshrl.u32 s6, $0x1;
	s8 =	sor.u32 s4, s8  }
0xa: {  	s9 =	ssub.s32 s6, s9;
	s4 =	sadd.s32 s5, s8;
	s10 =	sor.u32 $0x400, s8  }
0xb: {  	s6 =	sadd.s32 s7, s8;
	s5 =	sadd.s32 s5, s10;
	s7 =	sadd.s32 s7, s10  }
0xc: {  	s8 =	smax.u32 s9, $0x1;
	s9 =	simm.s32 $0x2000;
	s10 =	simm.s32 $0x4000  }
.LBB2_1:
0xd: {  	[tilespmem:s3], [sflag:$0x1] =	stream.linear.gather [hbm4b:s4+s3], $0x2000, $0x38;
	[tilespmem:$0x4100] =	vst v63  }
0xe: {  	_ = 	snop  }
0xf: {  	[tilespmem:s9], [sflag:$0x2] =	stream.linear.gather [hbm4b:s5+s3], $0x2000, $0x38;
	[tilespmem:$0x4100] =	vst v63  }
0x10: {  	_ = 	snop  }
0x11: {  	[tilespmem:s10], [sflag:$0x5] =	stream.linear.gather [hbm4b:s1+s3], $0x100, $0x38;
	[tilespmem:$0x4100] =	vst v63  }
0x12: {  	_ =	swait.ge [sflag:s11], $0x100  }
0x13: {  	[sflag:s11] =	ssyncset.done $0x0  }
0x14: {  	[sflag:s11] =	ssyncadd.s32 $0xFFFFFF00  }
0x15: {  	_ =	swait.ge [sflag:s12], $0x2000  }
0x16: {  	[sflag:s12] =	ssyncset.done $0x0  }
0x17: {  	[sflag:s12] =	ssyncadd.s32 $0xFFFFE000  }
0x18: {  	v0 =	vld [tilespmem:s3+$0x100]  }
0x19: {  	v1 =	vld [tilespmem:s3+$0x0];
	_ =	sdelay $0x3  }
0x1a: {  	v0 =	vmul.f32 $1.280000000e+02, v0  }
0x1b: {  	v1 =	vmul.f32 $1.280000000e+02, v1  }
0x1c: {  	v0 =	vadd.f32 $1.285000000e+02, v0  }
0x1d: {  	v1 =	vadd.f32 $1.285000000e+02, v1  }
0x1e: {  	v2 =	vld [tilespmem:s3+$0x110];
	v0 =	vmax.f32 v0, $0.0e+00  }
0x1f: {  	v3 =	vld [tilespmem:s3+$0x10];
	v1 =	vmax.f32 v1, $0.0e+00;
	v0 =	vmin.f32 v0, $2.550000000e+02  }
0x20: {  	v1 =	vmin.f32 v1, $2.550000000e+02;
	v0 =	vtrunc.f32 v0  }
0x21: {  	v1 =	vtrunc.f32 v1;
	v0 =	vcvt.f32.s32 v0  }
0x22: {  	v1 =	vcvt.f32.s32 v1  }
0x23: {  	v2 =	vmul.f32 $1.280000000e+02, v2  }
0x24: {  	v3 =	vmul.f32 $1.280000000e+02, v3  }
0x25: {  	v4 =	vld [tilespmem:s3+$0x120];
	v2 =	vadd.f32 $1.285000000e+02, v2  }
0x26: {  	v5 =	vld [tilespmem:s3+$0x20];
	v3 =	vadd.f32 $1.285000000e+02, v3  }
0x27: {  	v2 =	vmax.f32 v2, $0.0e+00;
	v0 =	vld.idx.msk [tilespmem:v0+s10+$0x0], $0xffff  }
0x28: {  	v3 =	vmax.f32 v3, $0.0e+00;
	v2 =	vmin.f32 v2, $2.550000000e+02;
	v1 =	vld.idx.msk [tilespmem:v1+s10+$0x0], $0xffff  }
0x29: {  	v3 =	vmin.f32 v3, $2.550000000e+02;
	v2 =	vtrunc.f32 v2  }
0x2a: {  	v3 =	vtrunc.f32 v3;
	v2 =	vcvt.f32.s32 v2  }
0x2b: {  	v3 =	vcvt.f32.s32 v3  }
0x2c: {  	v4 =	vmul.f32 $1.280000000e+02, v4;
	v0 =	vmul.f32 $5.000000070e-02, v0  }
0x2d: {  	v7 =	vld [tilespmem:s3+$0x130];
	v5 =	vmul.f32 $1.280000000e+02, v5;
	v1 =	vmul.f32 $5.000000070e-02, v1  }
0x2e: {  	v4 =	vadd.f32 $1.285000000e+02, v4;
	[tilespmem:s3+$0x180] =	vst.add.f32.msk $0xffff, v0  }
0x2f: {  	v5 =	vadd.f32 $1.285000000e+02, v5;
	[tilespmem:s3+$0x80] =	vst.add.f32.msk $0xffff, v1  }
0x30: {  	v0 =	vmax.f32 v4, $0.0e+00;
	v2 =	vld.idx.msk [tilespmem:v2+s10+$0x0], $0xffff  }
0x31: {  	v4 =	vmax.f32 v5, $0.0e+00;
	v0 =	vmin.f32 v0, $2.550000000e+02;
	v3 =	vld.idx.msk [tilespmem:v3+s10+$0x0], $0xffff  }
0x32: {  	v1 =	vmin.f32 v4, $2.550000000e+02;
	v0 =	vtrunc.f32 v0  }
0x33: {  	v6 =	vld [tilespmem:s3+$0x30];
	v1 =	vtrunc.f32 v1;
	v0 =	vcvt.f32.s32 v0  }
0x34: {  	v8 =	vld [tilespmem:s3+$0x140];
	v1 =	vcvt.f32.s32 v1  }
0x35: {  	v9 =	vld [tilespmem:s3+$0x150];
	v4 =	vmul.f32 $1.280000000e+02, v7;
	v2 =	vmul.f32 $5.000000070e-02, v2  }
0x36: {  	v5 =	vld [tilespmem:s3+$0x40];
	v3 =	vmul.f32 $5.000000070e-02, v3  }
0x37: {  	v4 =	vadd.f32 $1.285000000e+02, v4;
	[tilespmem:s3+$0x190] =	vst.add.f32.msk $0xffff, v2  }
0x38: {  	[tilespmem:s3+$0x90] =	vst.add.f32.msk $0xffff, v3  }
0x39: {  	v2 =	vmax.f32 v4, $0.0e+00;
	v0 =	vld.idx.msk [tilespmem:v0+s10+$0x0], $0xffff  }
0x3a: {  	v6 =	vmul.f32 $1.280000000e+02, v6;
	v2 =	vmin.f32 v2, $2.550000000e+02;
	v1 =	vld.idx.msk [tilespmem:v1+s10+$0x0], $0xffff  }
0x3b: {  	s17 =	simm.s32 $0x200;
	v12 =	vld [tilespmem:s3+$0x160];
	v2 =	vtrunc.f32 v2  }
0x3c: {  	v13 =	vld [tilespmem:s17+$0x30];
	v4 =	vadd.f32 $1.285000000e+02, v6;
	v2 =	vcvt.f32.s32 v2  }
0x3d: {  	v7 =	vld [tilespmem:s3+$0x50];
	v3 =	vmul.f32 $1.280000000e+02, v5  }
0x3e: {  	v5 =	vld [tilespmem:s3+$0x60];
	v6 =	vmul.f32 $1.280000000e+02, v8;
	v4 =	vmax.f32 v4, $0.0e+00;
	v0 =	vmul.f32 $5.000000070e-02, v0  }
0x3f: {  	v8 =	vld [tilespmem:s3+$0x70];
	v3 =	vadd.f32 $1.285000000e+02, v3;
	v4 =	vmin.f32 v4, $2.550000000e+02;
	v1 =	vmul.f32 $5.000000070e-02, v1  }
0x40: {  	v6 =	vadd.f32 $1.285000000e+02, v6;
	v4 =	vtrunc.f32 v4;
	[tilespmem:s3+$0x1A0] =	vst.add.f32.msk $0xffff, v0  }
0x41: {  	v3 =	vmax.f32 v3, $0.0e+00;
	v4 =	vcvt.f32.s32 v4;
	[tilespmem:s3+$0xA0] =	vst.add.f32.msk $0xffff, v1  }
0x42: {  	v0 =	vmin.f32 v3, $2.550000000e+02;
	v3 =	vmax.f32 v6, $0.0e+00;
	v2 =	vld.idx.msk [tilespmem:v2+s10+$0x0], $0xffff  }
0x43: {  	v7 =	vmul.f32 $1.280000000e+02, v7;
	v1 =	vmin.f32 v3, $2.550000000e+02;
	v3 =	vmul.f32 $1.280000000e+02, v5;
	v5 =	vld [tilespmem:s17+$0x100]  }
0x44: {  	v57 =	vld [tilespmem:s17+$0x130];
	v1 =	vtrunc.f32 v1  }
0x45: {  	v6 =	vadd.f32 $1.285000000e+02, v7;
	v7 =	vld [tilespmem:s17+$0x0];
	v1 =	vcvt.f32.s32 v1  }
0x46: {  	v15 =	vld [tilespmem:s17+$0x50];
	v9 =	vmul.f32 $1.280000000e+02, v9;
	v12 =	vmul.f32 $1.280000000e+02, v12  }
0x47: {  	v8 =	vmul.f32 $1.280000000e+02, v8;
	v4 =	vld.idx.msk [tilespmem:v4+s10+$0x0], $0xffff;
	v2 =	vmul.f32 $5.000000070e-02, v2  }
0x48: {  	v13 =	vmul.f32 $1.280000000e+02, v13;
	v9 =	vadd.f32 $1.285000000e+02, v9;
	v5 =	vmul.f32 $1.280000000e+02, v5  }
0x49: {  	v59 =	vmul.f32 $1.280000000e+02, v57;
	v8 =	vadd.f32 $1.285000000e+02, v8;
	v0 =	vtrunc.f32 v0;
	[tilespmem:s3+$0x1B0] =	vst.add.f32.msk $0xffff, v2  }
0x4a: {  	v2 =	vmul.f32 $1.280000000e+02, v7;
	v7 =	vmax.f32 v9, $0.0e+00;
	v5 =	vadd.f32 $1.285000000e+02, v5;
	v9 =	vld [tilespmem:s17+$0x110]  }
0x4b: {  	v60 =	vmul.f32 $1.280000000e+02, v15;
	v8 =	vmax.f32 v8, $0.0e+00;
	v0 =	vcvt.f32.s32 v0;
	v1 =	vld.idx.msk [tilespmem:v1+s10+$0x0], $0xffff  }
0x4c: {  	v10 =	vld [tilespmem:s17+$0x10];
	v4 =	vmul.f32 $5.000000070e-02, v4;
	v7 =	vmin.f32 v7, $2.550000000e+02;
	v5 =	vmax.f32 v5, $0.0e+00  }
0x4d: {  	v11 =	vld [tilespmem:s17+$0x20];
	v2 =	vadd.f32 $1.285000000e+02, v2;
	v7 =	vtrunc.f32 v7;
	v5 =	vmin.f32 v5, $2.550000000e+02  }
0x4e: {  	v56 =	vld [tilespmem:s3+$0x170];
	v6 =	vmax.f32 v6, $0.0e+00;
	v7 =	vcvt.f32.s32 v7;
	v5 =	vtrunc.f32 v5  }
0x4f: {  	v8 =	vmin.f32 v8, $2.550000000e+02;
	[tilespmem:s3+$0xB0] =	vst.add.f32.msk $0xffff, v4;
	v2 =	vmax.f32 v2, $0.0e+00;
	v4 =	vcvt.f32.s32 v5  }
0x50: {  	v2 =	vmin.f32 v2, $2.550000000e+02;
	v9 =	vmul.f32 $1.280000000e+02, v9;
	v1 =	vmul.f32 $5.000000070e-02, v1  }
0x51: {  	v6 =	vmin.f32 v6, $2.550000000e+02;
	v5 =	vadd.f32 $1.285000000e+02, v12;
	v2 =	vtrunc.f32 v2  }
0x52: {  	v8 =	vtrunc.f32 v8;
	v2 =	vcvt.f32.s32 v2;
	v9 =	vadd.f32 $1.285000000e+02, v9;
	[tilespmem:s3+$0x1C0] =	vst.add.f32.msk $0xffff, v1  }
0x53: {  	v1 =	vmax.f32 v5, $0.0e+00;
	v5 =	vmul.f32 $1.280000000e+02, v10;
	v10 =	vmul.f32 $1.280000000e+02, v11;
	v11 =	vld.idx.msk [tilespmem:v0+s10+$0x0], $0xffff  }
0x54: {  	v6 =	vtrunc.f32 v6;
	v12 =	vmul.f32 $1.280000000e+02, v56;
	v7 =	vld.idx.msk [tilespmem:v7+s10+$0x0], $0xffff;
	v1 =	vmin.f32 v1, $2.550000000e+02  }
0x55: {  	v9 =	vmax.f32 v9, $0.0e+00;
	v0 =	vtrunc.f32 v1;
	v1 =	vadd.f32 $1.285000000e+02, v5;
	v5 =	vld [tilespmem:s17+$0x120]  }
0x56: {  	v6 =	vcvt.f32.s32 v6;
	v9 =	vmin.f32 v9, $2.550000000e+02;
	v16 =	vcvt.f32.s32 v0;
	v4 =	vld.idx.msk [tilespmem:v4+s10+$0x0], $0xffff  }
0x57: {  	v14 =	vld [tilespmem:s17+$0x40];
	v12 =	vadd.f32 $1.285000000e+02, v12;
	v0 =	vcvt.f32.s32 v8;
	v9 =	vtrunc.f32 v9  }
0x58: {  	v8 =	vadd.f32 $1.285000000e+02, v10;
	v1 =	vmax.f32 v1, $0.0e+00;
	v9 =	vcvt.f32.s32 v9;
	v2 =	vld.idx.msk [tilespmem:v2+s10+$0x0], $0xffff  }
0x59: {  	v17 =	vld [tilespmem:s17+$0x70];
	v12 =	vmax.f32 v12, $0.0e+00;
	v1 =	vmin.f32 v1, $2.550000000e+02;
	v7 =	vmul.f32 $5.000000070e-02, v7  }
0x5a: {  	v10 =	vld [tilespmem:s17+$0x60];
	v8 =	vmax.f32 v8, $0.0e+00;
	v1 =	vtrunc.f32 v1;
	v5 =	vmul.f32 $1.280000000e+02, v5  }
0x5b: {  	v8 =	vmin.f32 v8, $2.550000000e+02;
	v1 =	vcvt.f32.s32 v1;
	[tilespmem:s3+$0x1D0] =	vst.add.f32.msk $0xffff, v7;
	v4 =	vmul.f32 $5.000000070e-02, v4  }
0x5c: {  	v12 =	vmin.f32 v12, $2.550000000e+02;
	v7 =	vtrunc.f32 v8;
	v8 =	vld.idx.msk [tilespmem:v16+s10+$0x0], $0xffff;
	v5 =	vadd.f32 $1.285000000e+02, v5  }
0x5d: {  	v2 =	vmul.f32 $5.000000070e-02, v2;
	[tilespmem:s17+$0x180] =	vst.add.f32.msk $0xffff, v4;
	v4 =	vtrunc.f32 v12  }
0x5e: {  	v11 =	vmul.f32 $5.000000070e-02, v11;
	v9 =	vld.idx.msk [tilespmem:v9+s10+$0x0], $0xffff;
	v5 =	vmax.f32 v5, $0.0e+00;
	v4 =	vcvt.f32.s32 v4  }
0x5f: {  	v58 =	vadd.f32 $1.285000000e+02, v13;
	v3 =	vadd.f32 $1.285000000e+02, v3;
	[tilespmem:s17+$0x80] =	vst.add.f32.msk $0xffff, v2;
	v2 =	vmin.f32 v5, $2.550000000e+02  }
0x60: {  	v61 =	vadd.f32 $1.285000000e+02, v60;
	[tilespmem:s3+$0xC0] =	vst.add.f32.msk $0xffff, v11;
	v5 =	vmul.f32 $1.280000000e+02, v14;
	v2 =	vtrunc.f32 v2  }
0x61: {  	v3 =	vmax.f32 v3, $0.0e+00;
	v1 =	vld.idx.msk [tilespmem:v1+s10+$0x0], $0xffff;
	v2 =	vcvt.f32.s32 v2;
	v8 =	vmul.f32 $5.000000070e-02, v8  }
0x62: {  	v3 =	vmin.f32 v3, $2.550000000e+02;
	v6 =	vld.idx.msk [tilespmem:v6+s10+$0x0], $0xffff;
	v12 =	vmax.f32 v58, $0.0e+00;
	v5 =	vadd.f32 $1.285000000e+02, v5  }
0x63: {  	v3 =	vtrunc.f32 v3;
	v7 =	vcvt.f32.s32 v7;
	v11 =	vmin.f32 v12, $2.550000000e+02;
	[tilespmem:s3+$0x1E0] =	vst.add.f32.msk $0xffff, v8  }
0x64: {  	v5 =	vmax.f32 v5, $0.0e+00;
	v8 =	vmul.f32 $5.000000070e-02, v9;
	v9 =	vld.idx.msk [tilespmem:v4+s10+$0x0], $0xffff;
	v4 =	vadd.f32 $1.285000000e+02, v59  }
0x65: {  	v62 =	vld [tilespmem:s17+$0x140];
	v3 =	vcvt.f32.s32 v3;
	v11 =	vtrunc.f32 v11;
	v5 =	vmin.f32 v5, $2.550000000e+02  }
0x66: {  	v5 =	vtrunc.f32 v5;
	v1 =	vmul.f32 $5.000000070e-02, v1;
	[tilespmem:s17+$0x190] =	vst.add.f32.msk $0xffff, v8;
	v8 =	vmax.f32 v4, $0.0e+00  }
0x67: {  	v4 =	vcvt.f32.s32 v5;
	v5 =	vmul.f32 $1.280000000e+02, v10;
	v10 =	vld.idx.msk [tilespmem:v2+s10+$0x0], $0xffff;
	v2 =	vmin.f32 v8, $2.550000000e+02  }
0x68: {  	v8 =	vmax.f32 v61, $0.0e+00;
	[tilespmem:s17+$0x90] =	vst.add.f32.msk $0xffff, v1;
	v1 =	vmul.f32 $5.000000070e-02, v6;
	v2 =	vtrunc.f32 v2  }
0x69: {  	v6 =	vmin.f32 v8, $2.550000000e+02;
	v8 =	vmul.f32 $1.280000000e+02, v17;
	v7 =	vld.idx.msk [tilespmem:v7+s10+$0x0], $0xffff;
	v63 =	vcvt.f32.s32 v2  }
0x6a: {  	v11 =	vcvt.f32.s32 v11;
	v5 =	vadd.f32 $1.285000000e+02, v5;
	[tilespmem:s3+$0xD0] =	vst.add.f32.msk $0xffff, v1;
	v1 =	vmul.f32 $5.000000070e-02, v9  }
0x6b: {  	v2 =	vtrunc.f32 v6;
	v6 =	vadd.f32 $1.285000000e+02, v8;
	v8 =	vld.idx.msk [tilespmem:v3+s10+$0x0], $0xffff;
	v3 =	vmul.f32 $1.280000000e+02, v62  }
0x6c: {  	v2 =	vcvt.f32.s32 v2;
	[tilespmem:s3+$0x1F0] =	vst.add.f32.msk $0xffff, v1;
	v1 =	vmul.f32 $5.000000070e-02, v10  }
0x6d: {  	v5 =	vmax.f32 v5, $0.0e+00;
	v9 =	vmax.f32 v6, $0.0e+00;
	v3 =	vadd.f32 $1.285000000e+02, v3;
	v6 =	vld [tilespmem:s17+$0x150]  }
0x6e: {  	v5 =	vmin.f32 v5, $2.550000000e+02;
	v9 =	vmin.f32 v9, $2.550000000e+02;
	v10 =	vmul.f32 $5.000000070e-02, v7;
	[tilespmem:s17+$0x1A0] =	vst.add.f32.msk $0xffff, v1  }
0x6f: {  	v1 =	vtrunc.f32 v5;
	v5 =	vtrunc.f32 v9;
	v9 =	vmax.f32 v3, $0.0e+00;
	v7 =	vld.idx.msk [tilespmem:v63+s10+$0x0], $0xffff  }
0x70: {  	v1 =	vcvt.f32.s32 v1;
	v3 =	vcvt.f32.s32 v5;
	[tilespmem:s17+$0xA0] =	vst.add.f32.msk $0xffff, v10;
	v9 =	vmin.f32 v9, $2.550000000e+02  }
0x71: {  	s19 =	simm.s32 $0x2;
	s20 =	simm.s32 $0x400;
	s18 =	simm.s32 $0x0;
	v5 =	vmul.f32 $5.000000070e-02, v8;
	v8 =	vld.idx.msk [tilespmem:v11+s10+$0x0], $0xffff;
	v9 =	vtrunc.f32 v9  }
.LBB2_2:
0x72: {  	v10 =	vld [tilespmem:s20+$0x100];
	s19 =	sadd.s32 $0x2, s19;
	v9 =	vcvt.f32.s32 v9  }
0x73: {  	v11 =	vld [tilespmem:s20+$0x0];
	p0 =	slt.u32 s19, $0x1E  }
0x74: {  	v6 =	vmul.f32 $1.280000000e+02, v6;
	v12 =	vld [tilespmem:s20+$0x10]  }
0x75: {  	v7 =	vmul.f32 $5.000000070e-02, v7;
	v13 =	vld [tilespmem:s20+$0x20]  }
0x76: {  	v6 =	vadd.f32 $1.285000000e+02, v6;
	v14 =	vld [tilespmem:s17+$0x160]  }
0x77: {  	v8 =	vmul.f32 $5.000000070e-02, v8;
	v10 =	vmul.f32 $1.280000000e+02, v10;
	[tilespmem:s17+$0x1B0] =	vst.add.f32.msk $0xffff, v7  }
0x78: {  	v6 =	vmax.f32 v6, $0.0e+00;
	v7 =	vmul.f32 $1.280000000e+02, v11;
	v9 =	vld.idx.msk [tilespmem:v9+s10+$0x0], $0xffff  }
0x79: {  	v6 =	vmin.f32 v6, $2.550000000e+02;
	v11 =	vmul.f32 $1.280000000e+02, v12;
	v12 =	vld [tilespmem:s20+$0x30];
	v10 =	vadd.f32 $1.285000000e+02, v10  }
0x7a: {  	v6 =	vtrunc.f32 v6;
	v7 =	vadd.f32 $1.285000000e+02, v7;
	v13 =	vmul.f32 $1.280000000e+02, v13;
	v15 =	vld [tilespmem:s20+$0x40]  }
0x7b: {  	v6 =	vcvt.f32.s32 v6;
	v11 =	vadd.f32 $1.285000000e+02, v11;
	v10 =	vmax.f32 v10, $0.0e+00;
	v16 =	vld [tilespmem:s20+$0x110]  }
0x7c: {  	v7 =	vmax.f32 v7, $0.0e+00;
	v13 =	vadd.f32 $1.285000000e+02, v13;
	v17 =	vld [tilespmem:s20+$0x50];
	v10 =	vmin.f32 v10, $2.550000000e+02  }
0x7d: {  	v7 =	vmin.f32 v7, $2.550000000e+02;
	v10 =	vtrunc.f32 v10;
	[tilespmem:s17+$0xB0] =	vst.add.f32.msk $0xffff, v8;
	v8 =	vmul.f32 $1.280000000e+02, v14  }
0x7e: {  	v11 =	vmax.f32 v11, $0.0e+00;
	v9 =	vmul.f32 $5.000000070e-02, v9;
	v10 =	vcvt.f32.s32 v10;
	v4 =	vld.idx.msk [tilespmem:v4+s10+$0x0], $0xffff  }
0x7f: {  	v7 =	vtrunc.f32 v7;
	v11 =	vmin.f32 v11, $2.550000000e+02;
	v8 =	vadd.f32 $1.285000000e+02, v8;
	v14 =	vld [tilespmem:s17+$0x170]  }
0x80: {  	v13 =	vmax.f32 v13, $0.0e+00;
	v7 =	vcvt.f32.s32 v7;
	v16 =	vmul.f32 $1.280000000e+02, v16;
	[tilespmem:s17+$0x1C0] =	vst.add.f32.msk $0xffff, v9  }
0x81: {  	v9 =	vtrunc.f32 v11;
	v11 =	vmin.f32 v13, $2.550000000e+02;
	v6 =	vld.idx.msk [tilespmem:v6+s10+$0x0], $0xffff;
	v8 =	vmax.f32 v8, $0.0e+00  }
0x82: {  	v9 =	vcvt.f32.s32 v9;
	v13 =	vld [tilespmem:s20+$0x60];
	v16 =	vadd.f32 $1.285000000e+02, v16;
	v8 =	vmin.f32 v8, $2.550000000e+02  }
0x83: {  	v11 =	vtrunc.f32 v11;
	v18 =	vld [tilespmem:s20+$0x120];
	v8 =	vtrunc.f32 v8  }
0x84: {  	v11 =	vcvt.f32.s32 v11;
	v10 =	vld.idx.msk [tilespmem:v10+s10+$0x0], $0xffff;
	v16 =	vmax.f32 v16, $0.0e+00;
	v8 =	vcvt.f32.s32 v8  }
0x85: {  	v12 =	vmul.f32 $1.280000000e+02, v12;
	v15 =	vmul.f32 $1.280000000e+02, v15;
	v19 =	vld [tilespmem:s20+$0x70];
	v16 =	vmin.f32 v16, $2.550000000e+02  }
0x86: {  	v14 =	vmul.f32 $1.280000000e+02, v14;
	v7 =	vld.idx.msk [tilespmem:v7+s10+$0x0], $0xffff;
	v16 =	vtrunc.f32 v16  }
0x87: {  	v12 =	vadd.f32 $1.285000000e+02, v12;
	v6 =	vmul.f32 $5.000000070e-02, v6;
	v16 =	vcvt.f32.s32 v16;
	[tilespmem:s18+$0xE0] =	vst.add.f32.msk $0xffff, v5  }
0x88: {  	v14 =	vadd.f32 $1.285000000e+02, v14;
	v5 =	vadd.f32 $1.285000000e+02, v15;
	v15 =	vmul.f32 $1.280000000e+02, v17;
	v17 =	vld.idx.msk [tilespmem:v0+s10+$0x0], $0xffff;
	v0 =	vmovc v3  }
0x89: {  	v4 =	vmul.f32 $5.000000070e-02, v4;
	v3 =	vmax.f32 v12, $0.0e+00;
	v12 =	vmul.f32 $1.280000000e+02, v18;
	[tilespmem:s17+$0x1D0] =	vst.add.f32.msk $0xffff, v6  }
0x8a: {  	v3 =	vmin.f32 v3, $2.550000000e+02;
	v6 =	vmul.f32 $5.000000070e-02, v10;
	v10 =	vmax.f32 v14, $0.0e+00;
	v8 =	vld.idx.msk [tilespmem:v8+s10+$0x0], $0xffff  }
0x8b: {  	v3 =	vtrunc.f32 v3;
	v12 =	vadd.f32 $1.285000000e+02, v12;
	v10 =	vmin.f32 v10, $2.550000000e+02;
	v14 =	vld [tilespmem:s20+$0x130]  }
0x8c: {  	v5 =	vmax.f32 v5, $0.0e+00;
	v7 =	vmul.f32 $5.000000070e-02, v7;
	[tilespmem:s20+$0x180] =	vst.add.f32.msk $0xffff, v6;
	v6 =	vtrunc.f32 v10  }
0x8d: {  	v10 =	vcvt.f32.s32 v3;
	v12 =	vmax.f32 v12, $0.0e+00;
	v3 =	vld.idx.msk [tilespmem:v16+s10+$0x0], $0xffff;
	v6 =	vcvt.f32.s32 v6  }
0x8e: {  	v5 =	vmin.f32 v5, $2.550000000e+02;
	v12 =	vmin.f32 v12, $2.550000000e+02;
	[tilespmem:s20+$0x80] =	vst.add.f32.msk $0xffff, v7;
	v7 =	vadd.f32 $1.285000000e+02, v15  }
0x8f: {  	v5 =	vtrunc.f32 v5;
	v12 =	vtrunc.f32 v12;
	v9 =	vld.idx.msk [tilespmem:v9+s10+$0x0], $0xffff  }
0x90: {  	v12 =	vcvt.f32.s32 v12;
	v8 =	vmul.f32 $5.000000070e-02, v8;
	v7 =	vmax.f32 v7, $0.0e+00;
	[tilespmem:s17+$0xC0] =	vst.add.f32.msk $0xffff, v4  }
0x91: {  	v4 =	vcvt.f32.s32 v5;
	v5 =	vmin.f32 v7, $2.550000000e+02;
	v7 =	vmul.f32 $1.280000000e+02, v13;
	v13 =	vld.idx.msk [tilespmem:v2+s10+$0x0], $0xffff  }
0x92: {  	v2 =	vtrunc.f32 v5;
	v5 =	vmul.f32 $1.280000000e+02, v14;
	[tilespmem:s17+$0x1E0] =	vst.add.f32.msk $0xffff, v8  }
0x93: {  	v3 =	vmul.f32 $5.000000070e-02, v3;
	v2 =	vcvt.f32.s32 v2;
	v7 =	vadd.f32 $1.285000000e+02, v7;
	v6 =	vld.idx.msk [tilespmem:v6+s10+$0x0], $0xffff  }
0x94: {  	v15 =	vmul.f32 $5.000000070e-02, v17;
	v8 =	vmul.f32 $1.280000000e+02, v19;
	v5 =	vadd.f32 $1.285000000e+02, v5;
	v14 =	vld [tilespmem:s20+$0x140]  }
0x95: {  	v9 =	vmul.f32 $5.000000070e-02, v9;
	v7 =	vmax.f32 v7, $0.0e+00;
	[tilespmem:s20+$0x190] =	vst.add.f32.msk $0xffff, v3  }
0x96: {  	v3 =	vmin.f32 v7, $2.550000000e+02;
	v7 =	vadd.f32 $1.285000000e+02, v8;
	v8 =	vld.idx.msk [tilespmem:v12+s10+$0x0], $0xffff;
	v5 =	vmax.f32 v5, $0.0e+00  }
0x97: {  	[tilespmem:s20+$0x90] =	vst.add.f32.msk $0xffff, v9;
	v3 =	vtrunc.f32 v3;
	v5 =	vmin.f32 v5, $2.550000000e+02;
	v9 =	vmul.f32 $5.000000070e-02, v13  }
0x98: {  	v11 =	vld.idx.msk [tilespmem:v11+s10+$0x0], $0xffff;
	v3 =	vcvt.f32.s32 v3;
	v7 =	vmax.f32 v7, $0.0e+00;
	v5 =	vtrunc.f32 v5  }
0x99: {  	v6 =	vmul.f32 $5.000000070e-02, v6;
	v7 =	vmin.f32 v7, $2.550000000e+02;
	v5 =	vcvt.f32.s32 v5;
	[tilespmem:s17+$0xD0] =	vst.add.f32.msk $0xffff, v9  }
0x9a: {  	v7 =	vtrunc.f32 v7;
	v9 =	vld.idx.msk [tilespmem:v1+s10+$0x0], $0xffff;
	v1 =	vmov v3  }
0x9b: {  	v3 =	vcvt.f32.s32 v7;
	v7 =	vmul.f32 $1.280000000e+02, v14;
	[tilespmem:s17+$0x1F0] =	vst.add.f32.msk $0xffff, v6  }
0x9c: {  	v8 =	vmul.f32 $5.000000070e-02, v8;
	[tilespmem:s18+$0xF0] =	vst.add.f32.msk $0xffff, v15;
	s18 =	smov.u32 s17;
	s17 =	smov.u32 s20  }
.Ltmp0:
0x9d: {  	v12 =	vadd.f32 $1.285000000e+02, v7;
	v6 =	vld [tilespmem:s20+$0x150];
	(pc) =	sbr.rel @p0 .LBB2_2-.Ltmp0, $4  }
0x9e: {  	v11 =	vmul.f32 $5.000000070e-02, v11;
	[tilespmem:s20+$0x1A0] =	vst.add.f32.msk $0xffff, v8  }
0x9f: {  	v7 =	vld.idx.msk [tilespmem:v5+s10+$0x0], $0xffff;
	v5 =	vmax.f32 v12, $0.0e+00  }
0xa0: {  	[tilespmem:s20+$0xA0] =	vst.add.f32.msk $0xffff, v11;
	v11 =	vmin.f32 v5, $2.550000000e+02;
	v5 =	vmul.f32 $5.000000070e-02, v9  }
0xa1: {  	s20 =	sadd.s32 $0x200, s20;
	v8 =	vld.idx.msk [tilespmem:v10+s10+$0x0], $0xffff;
	v9 =	vtrunc.f32 v11  }
0xa2: {  	v9 =	vcvt.f32.s32 v9  }
0xa3: {  	v6 =	vmul.f32 $1.280000000e+02, v6;
	_ =	sdelay $0x1  }
0xa4: {  	v7 =	vmul.f32 $5.000000070e-02, v7;
	v6 =	vadd.f32 $1.285000000e+02, v6  }
0xa5: {  	v10 =	vld [tilespmem:s17+$0x160]  }
0xa6: {  	v8 =	vmul.f32 $5.000000070e-02, v8;
	[tilespmem:s17+$0x1B0] =	vst.add.f32.msk $0xffff, v7;
	v6 =	vmax.f32 v6, $0.0e+00  }
0xa7: {  	v6 =	vmin.f32 v6, $2.550000000e+02;
	v7 =	vld.idx.msk [tilespmem:v9+s10+$0x0], $0xffff  }
0xa8: {  	v6 =	vtrunc.f32 v6;
	[tilespmem:s17+$0xB0] =	vst.add.f32.msk $0xffff, v8  }
0xa9: {  	v6 =	vcvt.f32.s32 v6;
	v4 =	vld.idx.msk [tilespmem:v4+s10+$0x0], $0xffff  }
0xaa: {  	v8 =	vmul.f32 $1.280000000e+02, v10;
	_ =	sdelay $0x1  }
0xab: {  	v8 =	vadd.f32 $1.285000000e+02, v8;
	v7 =	vmul.f32 $5.000000070e-02, v7  }
0xac: {  	v9 =	vld [tilespmem:s17+$0x170]  }
0xad: {  	v4 =	vmul.f32 $5.000000070e-02, v4;
	[tilespmem:s17+$0x1C0] =	vst.add.f32.msk $0xffff, v7;
	v7 =	vmax.f32 v8, $0.0e+00  }
0xae: {  	v6 =	vld.idx.msk [tilespmem:v6+s10+$0x0], $0xffff;
	v7 =	vmin.f32 v7, $2.550000000e+02  }
0xaf: {  	[tilespmem:s17+$0xC0] =	vst.add.f32.msk $0xffff, v4;
	v7 =	vtrunc.f32 v7  }
0xb0: {  	v2 =	vld.idx.msk [tilespmem:v2+s10+$0x0], $0xffff;
	v4 =	vcvt.f32.s32 v7  }
0xb1: {  	v7 =	vmul.f32 $1.280000000e+02, v9;
	_ =	sdelay $0x1  }
0xb2: {  	v7 =	vadd.f32 $1.285000000e+02, v7;
	v6 =	vmul.f32 $5.000000070e-02, v6;
	_ =	sdelay $0x1  }
0xb3: {  	v2 =	vmul.f32 $5.000000070e-02, v2;
	[tilespmem:s17+$0x1D0] =	vst.add.f32.msk $0xffff, v6;
	v6 =	vmax.f32 v7, $0.0e+00  }
0xb4: {  	v4 =	vld.idx.msk [tilespmem:v4+s10+$0x0], $0xffff;
	v6 =	vmin.f32 v6, $2.550000000e+02  }
0xb5: {  	[tilespmem:s17+$0xD0] =	vst.add.f32.msk $0xffff, v2;
	v6 =	vtrunc.f32 v6  }
0xb6: {  	v1 =	vld.idx.msk [tilespmem:v1+s10+$0x0], $0xffff;
	v2 =	vcvt.f32.s32 v6;
	_ =	sdelay $0x2  }
0xb7: {  	[tilespmem:s18+$0xE0] =	vst.add.f32.msk $0xffff, v5;
	v4 =	vmul.f32 $5.000000070e-02, v4  }
0xb8: {  	v0 =	vld.idx.msk [tilespmem:v0+s10+$0x0], $0xffff  }
0xb9: {  	v1 =	vmul.f32 $5.000000070e-02, v1;
	[tilespmem:s17+$0x1E0] =	vst.add.f32.msk $0xffff, v4  }
0xba: {  	v2 =	vld.idx.msk [tilespmem:v2+s10+$0x0], $0xffff  }
0xbb: {  	[tilespmem:s17+$0xE0] =	vst.add.f32.msk $0xffff, v1  }
0xbc: {  	v1 =	vld.idx.msk [tilespmem:v3+s10+$0x0], $0xffff;
	_ =	sdelay $0x2  }
0xbd: {  	v0 =	vmul.f32 $5.000000070e-02, v0  }
0xbe: {  	v2 =	vmul.f32 $5.000000070e-02, v2  }
0xbf: {  	[tilespmem:s18+$0xF0] =	vst.add.f32.msk $0xffff, v0;
	v1 =	vmul.f32 $5.000000070e-02, v1  }
0xc0: {  	[tilespmem:s17+$0x1F0] =	vst.add.f32.msk $0xffff, v2  }
0xc1: {  	[tilespmem:s17+$0xF0] =	vst.add.f32.msk $0xffff, v1  }
0xc2: {  	[hbm4b:s6+s3] =	stream.linear.scatter [tilespmem:s3], [sflag:$0x3], $0x2000, $0x38;
	[tilespmem:$0x4100] =	vst v63  }
0xc3: {  	_ =	swait.ge [sflag:s13], $0x2000  }
0xc4: {  	[sflag:s13] =	ssyncset.done $0x0  }
0xc5: {  	s17 =	simm.s32 $0x2000;
	[sflag:s13] =	ssyncadd.s32 $0xFFFFE000  }
0xc6: {  	v0 =	vld [tilespmem:s17+$0x100]  }
0xc7: {  	v1 =	vld [tilespmem:s17+$0x0];
	_ =	sdelay $0x3  }
0xc8: {  	v0 =	vmul.f32 $1.280000000e+02, v0  }
0xc9: {  	v1 =	vmul.f32 $1.280000000e+02, v1  }
0xca: {  	v0 =	vadd.f32 $1.285000000e+02, v0  }
0xcb: {  	v1 =	vadd.f32 $1.285000000e+02, v1  }
0xcc: {  	v2 =	vld [tilespmem:s17+$0x110];
	v0 =	vmax.f32 v0, $0.0e+00  }
0xcd: {  	v3 =	vld [tilespmem:s17+$0x10];
	v1 =	vmax.f32 v1, $0.0e+00;
	v0 =	vmin.f32 v0, $2.550000000e+02  }
0xce: {  	v1 =	vmin.f32 v1, $2.550000000e+02;
	v0 =	vtrunc.f32 v0  }
0xcf: {  	v1 =	vtrunc.f32 v1;
	v0 =	vcvt.f32.s32 v0  }
0xd0: {  	v1 =	vcvt.f32.s32 v1  }
0xd1: {  	v2 =	vmul.f32 $1.280000000e+02, v2  }
0xd2: {  	v3 =	vmul.f32 $1.280000000e+02, v3  }
0xd3: {  	v4 =	vld [tilespmem:s17+$0x20];
	v2 =	vadd.f32 $1.285000000e+02, v2  }
0xd4: {  	v5 =	vld [tilespmem:s17+$0x120];
	v3 =	vadd.f32 $1.285000000e+02, v3  }
0xd5: {  	v2 =	vmax.f32 v2, $0.0e+00;
	v0 =	vld.idx.msk [tilespmem:v0+s10+$0x0], $0xffff  }
0xd6: {  	v3 =	vmax.f32 v3, $0.0e+00;
	v2 =	vmin.f32 v2, $2.550000000e+02;
	v1 =	vld.idx.msk [tilespmem:v1+s10+$0x0], $0xffff  }
0xd7: {  	v3 =	vmin.f32 v3, $2.550000000e+02;
	v2 =	vtrunc.f32 v2  }
0xd8: {  	v3 =	vtrunc.f32 v3;
	v2 =	vcvt.f32.s32 v2  }
0xd9: {  	v3 =	vcvt.f32.s32 v3  }
0xda: {  	v5 =	vmul.f32 $1.280000000e+02, v5;
	v0 =	vmul.f32 $5.000000070e-02, v0  }
0xdb: {  	v11 =	vld [tilespmem:s17+$0x130];
	v4 =	vmul.f32 $1.280000000e+02, v4;
	v1 =	vmul.f32 $5.000000070e-02, v1  }
0xdc: {  	v5 =	vadd.f32 $1.285000000e+02, v5;
	[tilespmem:s17+$0x180] =	vst.add.f32.msk $0xffff, v0  }
0xdd: {  	v4 =	vadd.f32 $1.285000000e+02, v4;
	[tilespmem:s17+$0x80] =	vst.add.f32.msk $0xffff, v1  }
0xde: {  	v0 =	vmax.f32 v5, $0.0e+00;
	v2 =	vld.idx.msk [tilespmem:v2+s10+$0x0], $0xffff  }
0xdf: {  	v4 =	vmax.f32 v4, $0.0e+00;
	v0 =	vmin.f32 v0, $2.550000000e+02;
	v3 =	vld.idx.msk [tilespmem:v3+s10+$0x0], $0xffff  }
0xe0: {  	v6 =	vld [tilespmem:s17+$0x30];
	v1 =	vmin.f32 v4, $2.550000000e+02;
	v0 =	vtrunc.f32 v0  }
0xe1: {  	v7 =	vld [tilespmem:s17+$0x40];
	v1 =	vtrunc.f32 v1;
	v0 =	vcvt.f32.s32 v0  }
0xe2: {  	v8 =	vld [tilespmem:s17+$0x50];
	v1 =	vcvt.f32.s32 v1  }
0xe3: {  	v9 =	vld [tilespmem:s17+$0x60];
	v4 =	vmul.f32 $1.280000000e+02, v11;
	v2 =	vmul.f32 $5.000000070e-02, v2  }
0xe4: {  	v5 =	vld [tilespmem:s17+$0x140];
	v3 =	vmul.f32 $5.000000070e-02, v3  }
0xe5: {  	v4 =	vadd.f32 $1.285000000e+02, v4;
	[tilespmem:s17+$0x190] =	vst.add.f32.msk $0xffff, v2  }
0xe6: {  	[tilespmem:s17+$0x90] =	vst.add.f32.msk $0xffff, v3  }
0xe7: {  	v2 =	vmax.f32 v4, $0.0e+00;
	v0 =	vld.idx.msk [tilespmem:v0+s10+$0x0], $0xffff  }
0xe8: {  	v2 =	vmin.f32 v2, $2.550000000e+02;
	v1 =	vld.idx.msk [tilespmem:v1+s10+$0x0], $0xffff  }
0xe9: {  	s18 =	simm.s32 $0x2200;
	v12 =	vld [tilespmem:s17+$0x160];
	v6 =	vmul.f32 $1.280000000e+02, v6;
	v2 =	vtrunc.f32 v2  }
0xea: {  	v13 =	vld [tilespmem:s18+$0x30];
	v2 =	vcvt.f32.s32 v2  }
0xeb: {  	v15 =	vld [tilespmem:s18+$0x50];
	v4 =	vadd.f32 $1.285000000e+02, v6;
	v3 =	vmul.f32 $1.280000000e+02, v7  }
0xec: {  	v56 =	vld [tilespmem:s18+$0x130];
	v5 =	vmul.f32 $1.280000000e+02, v5;
	v0 =	vmul.f32 $5.000000070e-02, v0  }
0xed: {  	v6 =	vld [tilespmem:s17+$0x150];
	v4 =	vmax.f32 v4, $0.0e+00;
	v3 =	vadd.f32 $1.285000000e+02, v3;
	v1 =	vmul.f32 $5.000000070e-02, v1  }
0xee: {  	v5 =	vadd.f32 $1.285000000e+02, v5;
	v4 =	vmin.f32 v4, $2.550000000e+02;
	[tilespmem:s17+$0x1A0] =	vst.add.f32.msk $0xffff, v0  }
0xef: {  	v7 =	vmul.f32 $1.280000000e+02, v8;
	v4 =	vtrunc.f32 v4;
	v3 =	vmax.f32 v3, $0.0e+00;
	[tilespmem:s17+$0xA0] =	vst.add.f32.msk $0xffff, v1  }
0xf0: {  	v4 =	vcvt.f32.s32 v4;
	v0 =	vmin.f32 v3, $2.550000000e+02;
	v3 =	vmax.f32 v5, $0.0e+00;
	v2 =	vld.idx.msk [tilespmem:v2+s10+$0x0], $0xffff  }
0xf1: {  	v5 =	vadd.f32 $1.285000000e+02, v7;
	v7 =	vld [tilespmem:s18+$0x100];
	v1 =	vmin.f32 v3, $2.550000000e+02  }
0xf2: {  	v10 =	vld [tilespmem:s17+$0x70];
	v12 =	vmul.f32 $1.280000000e+02, v12;
	v1 =	vtrunc.f32 v1  }
0xf3: {  	v13 =	vmul.f32 $1.280000000e+02, v13;
	v8 =	vld [tilespmem:s18+$0x0];
	v1 =	vcvt.f32.s32 v1  }
0xf4: {  	v58 =	vmul.f32 $1.280000000e+02, v56;
	v6 =	vmul.f32 $1.280000000e+02, v6  }
0xf5: {  	v59 =	vmul.f32 $1.280000000e+02, v15;
	v2 =	vmul.f32 $5.000000070e-02, v2  }
0xf6: {  	v6 =	vadd.f32 $1.285000000e+02, v6;
	v0 =	vtrunc.f32 v0;
	v4 =	vld.idx.msk [tilespmem:v4+s10+$0x0], $0xffff;
	v7 =	vmul.f32 $1.280000000e+02, v7  }
0xf7: {  	v3 =	vmul.f32 $1.280000000e+02, v9;
	v9 =	vmul.f32 $1.280000000e+02, v10;
	[tilespmem:s17+$0x1B0] =	vst.add.f32.msk $0xffff, v2  }
0xf8: {  	v6 =	vmax.f32 v6, $0.0e+00;
	v7 =	vadd.f32 $1.285000000e+02, v7;
	v2 =	vmul.f32 $1.280000000e+02, v8;
	v8 =	vld [tilespmem:s18+$0x110]  }
0xf9: {  	v5 =	vmax.f32 v5, $0.0e+00;
	v0 =	vcvt.f32.s32 v0;
	v6 =	vmin.f32 v6, $2.550000000e+02;
	v1 =	vld.idx.msk [tilespmem:v1+s10+$0x0], $0xffff  }
0xfa: {  	v55 =	vld [tilespmem:s17+$0x170];
	v5 =	vmin.f32 v5, $2.550000000e+02;
	v6 =	vtrunc.f32 v6;
	v7 =	vmax.f32 v7, $0.0e+00  }
0xfb: {  	v11 =	vld [tilespmem:s18+$0x20];
	v4 =	vmul.f32 $5.000000070e-02, v4;
	v2 =	vadd.f32 $1.285000000e+02, v2;
	v7 =	vmin.f32 v7, $2.550000000e+02  }
0xfc: {  	v10 =	vld [tilespmem:s18+$0x10];
	v9 =	vadd.f32 $1.285000000e+02, v9;
	v6 =	vcvt.f32.s32 v6;
	v7 =	vtrunc.f32 v7  }
0xfd: {  	v5 =	vtrunc.f32 v5;
	[tilespmem:s17+$0xB0] =	vst.add.f32.msk $0xffff, v4;
	v2 =	vmax.f32 v2, $0.0e+00;
	v4 =	vcvt.f32.s32 v7  }
0xfe: {  	v2 =	vmin.f32 v2, $2.550000000e+02;
	v8 =	vmul.f32 $1.280000000e+02, v8;
	v1 =	vmul.f32 $5.000000070e-02, v1  }
0xff: {  	v5 =	vcvt.f32.s32 v5;
	v7 =	vadd.f32 $1.285000000e+02, v12;
	v2 =	vtrunc.f32 v2  }
0x100: {  	v9 =	vmax.f32 v9, $0.0e+00;
	v2 =	vcvt.f32.s32 v2;
	v8 =	vadd.f32 $1.285000000e+02, v8;
	[tilespmem:s17+$0x1C0] =	vst.add.f32.msk $0xffff, v1  }
0x101: {  	v1 =	vmax.f32 v7, $0.0e+00;
	v7 =	vmul.f32 $1.280000000e+02, v10;
	v10 =	vmul.f32 $1.280000000e+02, v11;
	v11 =	vld.idx.msk [tilespmem:v0+s10+$0x0], $0xffff  }
0x102: {  	v9 =	vmin.f32 v9, $2.550000000e+02;
	v12 =	vmul.f32 $1.280000000e+02, v55;
	v6 =	vld.idx.msk [tilespmem:v6+s10+$0x0], $0xffff;
	v1 =	vmin.f32 v1, $2.550000000e+02  }
0x103: {  	v8 =	vmax.f32 v8, $0.0e+00;
	v0 =	vtrunc.f32 v1;
	v1 =	vadd.f32 $1.285000000e+02, v7;
	v7 =	vld [tilespmem:s18+$0x120]  }
0x104: {  	v9 =	vtrunc.f32 v9;
	v4 =	vld.idx.msk [tilespmem:v4+s10+$0x0], $0xffff;
	v8 =	vmin.f32 v8, $2.550000000e+02;
	v16 =	vcvt.f32.s32 v0  }
0x105: {  	v14 =	vld [tilespmem:s18+$0x40];
	v12 =	vadd.f32 $1.285000000e+02, v12;
	v0 =	vcvt.f32.s32 v9;
	v8 =	vtrunc.f32 v8  }
0x106: {  	v9 =	vadd.f32 $1.285000000e+02, v10;
	v1 =	vmax.f32 v1, $0.0e+00;
	v8 =	vcvt.f32.s32 v8;
	v2 =	vld.idx.msk [tilespmem:v2+s10+$0x0], $0xffff  }
0x107: {  	v17 =	vld [tilespmem:s18+$0x70];
	v12 =	vmax.f32 v12, $0.0e+00;
	v1 =	vmin.f32 v1, $2.550000000e+02;
	v6 =	vmul.f32 $5.000000070e-02, v6  }
0x108: {  	v10 =	vld [tilespmem:s18+$0x60];
	v9 =	vmax.f32 v9, $0.0e+00;
	v1 =	vtrunc.f32 v1;
	v7 =	vmul.f32 $1.280000000e+02, v7  }
0x109: {  	v9 =	vmin.f32 v9, $2.550000000e+02;
	v1 =	vcvt.f32.s32 v1;
	v4 =	vmul.f32 $5.000000070e-02, v4;
	[tilespmem:s17+$0x1D0] =	vst.add.f32.msk $0xffff, v6  }
0x10a: {  	v12 =	vmin.f32 v12, $2.550000000e+02;
	v6 =	vtrunc.f32 v9;
	v9 =	vld.idx.msk [tilespmem:v16+s10+$0x0], $0xffff;
	v7 =	vadd.f32 $1.285000000e+02, v7  }
0x10b: {  	v3 =	vadd.f32 $1.285000000e+02, v3;
	[tilespmem:s18+$0x180] =	vst.add.f32.msk $0xffff, v4;
	v4 =	vtrunc.f32 v12;
	v2 =	vmul.f32 $5.000000070e-02, v2  }
0x10c: {  	v11 =	vmul.f32 $5.000000070e-02, v11;
	v8 =	vld.idx.msk [tilespmem:v8+s10+$0x0], $0xffff;
	v4 =	vcvt.f32.s32 v4;
	v7 =	vmax.f32 v7, $0.0e+00  }
0x10d: {  	v57 =	vadd.f32 $1.285000000e+02, v13;
	v3 =	vmax.f32 v3, $0.0e+00;
	[tilespmem:s18+$0x80] =	vst.add.f32.msk $0xffff, v2;
	v2 =	vmin.f32 v7, $2.550000000e+02  }
0x10e: {  	v3 =	vmin.f32 v3, $2.550000000e+02;
	[tilespmem:s17+$0xC0] =	vst.add.f32.msk $0xffff, v11;
	v7 =	vmul.f32 $1.280000000e+02, v14;
	v2 =	vtrunc.f32 v2  }
0x10f: {  	v12 =	vmax.f32 v57, $0.0e+00;
	v1 =	vld.idx.msk [tilespmem:v1+s10+$0x0], $0xffff;
	v2 =	vcvt.f32.s32 v2;
	v9 =	vmul.f32 $5.000000070e-02, v9  }
0x110: {  	v3 =	vtrunc.f32 v3;
	v5 =	vld.idx.msk [tilespmem:v5+s10+$0x0], $0xffff;
	v11 =	vmin.f32 v12, $2.550000000e+02;
	v7 =	vadd.f32 $1.285000000e+02, v7  }
0x111: {  	v60 =	vadd.f32 $1.285000000e+02, v59;
	v6 =	vcvt.f32.s32 v6;
	v11 =	vtrunc.f32 v11;
	[tilespmem:s17+$0x1E0] =	vst.add.f32.msk $0xffff, v9  }
0x112: {  	v8 =	vmul.f32 $5.000000070e-02, v8;
	v7 =	vmax.f32 v7, $0.0e+00;
	v9 =	vld.idx.msk [tilespmem:v4+s10+$0x0], $0xffff;
	v4 =	vadd.f32 $1.285000000e+02, v58  }
0x113: {  	v61 =	vld [tilespmem:s18+$0x140];
	v3 =	vcvt.f32.s32 v3;
	v11 =	vcvt.f32.s32 v11;
	v7 =	vmin.f32 v7, $2.550000000e+02  }
0x114: {  	[tilespmem:s18+$0x190] =	vst.add.f32.msk $0xffff, v8;
	v7 =	vtrunc.f32 v7;
	v1 =	vmul.f32 $5.000000070e-02, v1;
	v8 =	vmax.f32 v4, $0.0e+00  }
0x115: {  	v4 =	vcvt.f32.s32 v7;
	v7 =	vmul.f32 $1.280000000e+02, v10;
	v10 =	vld.idx.msk [tilespmem:v2+s10+$0x0], $0xffff;
	v2 =	vmin.f32 v8, $2.550000000e+02  }
0x116: {  	v8 =	vmax.f32 v60, $0.0e+00;
	[tilespmem:s18+$0x90] =	vst.add.f32.msk $0xffff, v1;
	v1 =	vmul.f32 $5.000000070e-02, v5;
	v2 =	vtrunc.f32 v2  }
0x117: {  	v5 =	vmin.f32 v8, $2.550000000e+02;
	v8 =	vmul.f32 $1.280000000e+02, v17;
	v62 =	vld.idx.msk [tilespmem:v6+s10+$0x0], $0xffff;
	v63 =	vcvt.f32.s32 v2  }
0x118: {  	v2 =	vtrunc.f32 v5;
	[tilespmem:s17+$0xD0] =	vst.add.f32.msk $0xffff, v1;
	v1 =	vmul.f32 $5.000000070e-02, v9  }
0x119: {  	v5 =	vadd.f32 $1.285000000e+02, v7;
	v6 =	vadd.f32 $1.285000000e+02, v8;
	v8 =	vld.idx.msk [tilespmem:v3+s10+$0x0], $0xffff;
	v3 =	vmul.f32 $1.280000000e+02, v61  }
0x11a: {  	v2 =	vcvt.f32.s32 v2;
	[tilespmem:s17+$0x1F0] =	vst.add.f32.msk $0xffff, v1;
	v1 =	vmul.f32 $5.000000070e-02, v10  }
0x11b: {  	v5 =	vmax.f32 v5, $0.0e+00;
	v7 =	vmax.f32 v6, $0.0e+00;
	v3 =	vadd.f32 $1.285000000e+02, v3;
	v6 =	vld [tilespmem:s18+$0x150]  }
0x11c: {  	v5 =	vmin.f32 v5, $2.550000000e+02;
	v7 =	vmin.f32 v7, $2.550000000e+02;
	v9 =	vmul.f32 $5.000000070e-02, v62;
	[tilespmem:s18+$0x1A0] =	vst.add.f32.msk $0xffff, v1  }
0x11d: {  	v1 =	vtrunc.f32 v5;
	v5 =	vtrunc.f32 v7;
	v10 =	vmax.f32 v3, $0.0e+00;
	v7 =	vld.idx.msk [tilespmem:v63+s10+$0x0], $0xffff  }
0x11e: {  	v1 =	vcvt.f32.s32 v1;
	v3 =	vcvt.f32.s32 v5;
	[tilespmem:s18+$0xA0] =	vst.add.f32.msk $0xffff, v9;
	v9 =	vmin.f32 v10, $2.550000000e+02  }
0x11f: {  	s19 =	simm.s32 $0x2;
	s20 =	simm.s32 $0x2400;
	v5 =	vmul.f32 $5.000000070e-02, v8;
	v8 =	vld.idx.msk [tilespmem:v11+s10+$0x0], $0xffff;
	v9 =	vtrunc.f32 v9  }
.LBB2_4:
0x120: {  	v10 =	vld [tilespmem:s20+$0x100];
	s19 =	sadd.s32 $0x2, s19;
	v9 =	vcvt.f32.s32 v9  }
0x121: {  	v11 =	vld [tilespmem:s20+$0x0];
	p0 =	slt.u32 s19, $0x1E  }
0x122: {  	v6 =	vmul.f32 $1.280000000e+02, v6;
	v12 =	vld [tilespmem:s20+$0x10]  }
0x123: {  	v7 =	vmul.f32 $5.000000070e-02, v7;
	v13 =	vld [tilespmem:s20+$0x20]  }
0x124: {  	v6 =	vadd.f32 $1.285000000e+02, v6;
	v14 =	vld [tilespmem:s18+$0x160]  }
0x125: {  	v8 =	vmul.f32 $5.000000070e-02, v8;
	v10 =	vmul.f32 $1.280000000e+02, v10;
	[tilespmem:s18+$0x1B0] =	vst.add.f32.msk $0xffff, v7  }
0x126: {  	v6 =	vmax.f32 v6, $0.0e+00;
	v7 =	vmul.f32 $1.280000000e+02, v11;
	v9 =	vld.idx.msk [tilespmem:v9+s10+$0x0], $0xffff  }
0x127: {  	v6 =	vmin.f32 v6, $2.550000000e+02;
	v11 =	vmul.f32 $1.280000000e+02, v12;
	v12 =	vld [tilespmem:s20+$0x30];
	v10 =	vadd.f32 $1.285000000e+02, v10  }
0x128: {  	v6 =	vtrunc.f32 v6;
	v7 =	vadd.f32 $1.285000000e+02, v7;
	v13 =	vmul.f32 $1.280000000e+02, v13;
	v15 =	vld [tilespmem:s20+$0x40]  }
0x129: {  	v6 =	vcvt.f32.s32 v6;
	v11 =	vadd.f32 $1.285000000e+02, v11;
	v10 =	vmax.f32 v10, $0.0e+00;
	v16 =	vld [tilespmem:s20+$0x110]  }
0x12a: {  	v7 =	vmax.f32 v7, $0.0e+00;
	v13 =	vadd.f32 $1.285000000e+02, v13;
	v17 =	vld [tilespmem:s20+$0x50];
	v10 =	vmin.f32 v10, $2.550000000e+02  }
0x12b: {  	v7 =	vmin.f32 v7, $2.550000000e+02;
	v10 =	vtrunc.f32 v10;
	[tilespmem:s18+$0xB0] =	vst.add.f32.msk $0xffff, v8;
	v8 =	vmul.f32 $1.280000000e+02, v14  }
0x12c: {  	v11 =	vmax.f32 v11, $0.0e+00;
	v9 =	vmul.f32 $5.000000070e-02, v9;
	v10 =	vcvt.f32.s32 v10;
	v4 =	vld.idx.msk [tilespmem:v4+s10+$0x0], $0xffff  }
0x12d: {  	v7 =	vtrunc.f32 v7;
	v11 =	vmin.f32 v11, $2.550000000e+02;
	v8 =	vadd.f32 $1.285000000e+02, v8;
	v14 =	vld [tilespmem:s18+$0x170]  }
0x12e: {  	v13 =	vmax.f32 v13, $0.0e+00;
	v7 =	vcvt.f32.s32 v7;
	v16 =	vmul.f32 $1.280000000e+02, v16;
	[tilespmem:s18+$0x1C0] =	vst.add.f32.msk $0xffff, v9  }
0x12f: {  	v9 =	vtrunc.f32 v11;
	v11 =	vmin.f32 v13, $2.550000000e+02;
	v6 =	vld.idx.msk [tilespmem:v6+s10+$0x0], $0xffff;
	v8 =	vmax.f32 v8, $0.0e+00  }
0x130: {  	v9 =	vcvt.f32.s32 v9;
	v13 =	vld [tilespmem:s20+$0x60];
	v16 =	vadd.f32 $1.285000000e+02, v16;
	v8 =	vmin.f32 v8, $2.550000000e+02  }
0x131: {  	v11 =	vtrunc.f32 v11;
	v18 =	vld [tilespmem:s20+$0x120];
	v8 =	vtrunc.f32 v8  }
0x132: {  	v11 =	vcvt.f32.s32 v11;
	v10 =	vld.idx.msk [tilespmem:v10+s10+$0x0], $0xffff;
	v16 =	vmax.f32 v16, $0.0e+00;
	v8 =	vcvt.f32.s32 v8  }
0x133: {  	v12 =	vmul.f32 $1.280000000e+02, v12;
	v15 =	vmul.f32 $1.280000000e+02, v15;
	v19 =	vld [tilespmem:s20+$0x70];
	v16 =	vmin.f32 v16, $2.550000000e+02  }
0x134: {  	v14 =	vmul.f32 $1.280000000e+02, v14;
	v7 =	vld.idx.msk [tilespmem:v7+s10+$0x0], $0xffff;
	v16 =	vtrunc.f32 v16  }
0x135: {  	v12 =	vadd.f32 $1.285000000e+02, v12;
	v6 =	vmul.f32 $5.000000070e-02, v6;
	v16 =	vcvt.f32.s32 v16;
	[tilespmem:s17+$0xE0] =	vst.add.f32.msk $0xffff, v5  }
0x136: {  	v14 =	vadd.f32 $1.285000000e+02, v14;
	v5 =	vadd.f32 $1.285000000e+02, v15;
	v15 =	vmul.f32 $1.280000000e+02, v17;
	v17 =	vld.idx.msk [tilespmem:v0+s10+$0x0], $0xffff;
	v0 =	vmovc v3  }
0x137: {  	v4 =	vmul.f32 $5.000000070e-02, v4;
	v3 =	vmax.f32 v12, $0.0e+00;
	v12 =	vmul.f32 $1.280000000e+02, v18;
	[tilespmem:s18+$0x1D0] =	vst.add.f32.msk $0xffff, v6  }
0x138: {  	v3 =	vmin.f32 v3, $2.550000000e+02;
	v6 =	vmul.f32 $5.000000070e-02, v10;
	v10 =	vmax.f32 v14, $0.0e+00;
	v8 =	vld.idx.msk [tilespmem:v8+s10+$0x0], $0xffff  }
0x139: {  	v3 =	vtrunc.f32 v3;
	v12 =	vadd.f32 $1.285000000e+02, v12;
	v10 =	vmin.f32 v10, $2.550000000e+02;
	v14 =	vld [tilespmem:s20+$0x130]  }
0x13a: {  	v5 =	vmax.f32 v5, $0.0e+00;
	v7 =	vmul.f32 $5.000000070e-02, v7;
	[tilespmem:s20+$0x180] =	vst.add.f32.msk $0xffff, v6;
	v6 =	vtrunc.f32 v10  }
0x13b: {  	v10 =	vcvt.f32.s32 v3;
	v12 =	vmax.f32 v12, $0.0e+00;
	v3 =	vld.idx.msk [tilespmem:v16+s10+$0x0], $0xffff;
	v6 =	vcvt.f32.s32 v6  }
0x13c: {  	v5 =	vmin.f32 v5, $2.550000000e+02;
	v12 =	vmin.f32 v12, $2.550000000e+02;
	[tilespmem:s20+$0x80] =	vst.add.f32.msk $0xffff, v7;
	v7 =	vadd.f32 $1.285000000e+02, v15  }
0x13d: {  	v5 =	vtrunc.f32 v5;
	v12 =	vtrunc.f32 v12;
	v9 =	vld.idx.msk [tilespmem:v9+s10+$0x0], $0xffff  }
0x13e: {  	v12 =	vcvt.f32.s32 v12;
	v8 =	vmul.f32 $5.000000070e-02, v8;
	v7 =	vmax.f32 v7, $0.0e+00;
	[tilespmem:s18+$0xC0] =	vst.add.f32.msk $0xffff, v4  }
0x13f: {  	v4 =	vcvt.f32.s32 v5;
	v5 =	vmin.f32 v7, $2.550000000e+02;
	v7 =	vmul.f32 $1.280000000e+02, v13;
	v13 =	vld.idx.msk [tilespmem:v2+s10+$0x0], $0xffff  }
0x140: {  	v2 =	vtrunc.f32 v5;
	v5 =	vmul.f32 $1.280000000e+02, v14;
	[tilespmem:s18+$0x1E0] =	vst.add.f32.msk $0xffff, v8  }
0x141: {  	v3 =	vmul.f32 $5.000000070e-02, v3;
	v2 =	vcvt.f32.s32 v2;
	v7 =	vadd.f32 $1.285000000e+02, v7;
	v6 =	vld.idx.msk [tilespmem:v6+s10+$0x0], $0xffff  }
0x142: {  	v15 =	vmul.f32 $5.000000070e-02, v17;
	v8 =	vmul.f32 $1.280000000e+02, v19;
	v5 =	vadd.f32 $1.285000000e+02, v5;
	v14 =	vld [tilespmem:s20+$0x140]  }
0x143: {  	v9 =	vmul.f32 $5.000000070e-02, v9;
	v7 =	vmax.f32 v7, $0.0e+00;
	[tilespmem:s20+$0x190] =	vst.add.f32.msk $0xffff, v3  }
0x144: {  	v3 =	vmin.f32 v7, $2.550000000e+02;
	v7 =	vadd.f32 $1.285000000e+02, v8;
	v8 =	vld.idx.msk [tilespmem:v12+s10+$0x0], $0xffff;
	v5 =	vmax.f32 v5, $0.0e+00  }
0x145: {  	[tilespmem:s20+$0x90] =	vst.add.f32.msk $0xffff, v9;
	v3 =	vtrunc.f32 v3;
	v5 =	vmin.f32 v5, $2.550000000e+02;
	v9 =	vmul.f32 $5.000000070e-02, v13  }
0x146: {  	v11 =	vld.idx.msk [tilespmem:v11+s10+$0x0], $0xffff;
	v3 =	vcvt.f32.s32 v3;
	v7 =	vmax.f32 v7, $0.0e+00;
	v5 =	vtrunc.f32 v5  }
0x147: {  	v6 =	vmul.f32 $5.000000070e-02, v6;
	v7 =	vmin.f32 v7, $2.550000000e+02;
	v5 =	vcvt.f32.s32 v5;
	[tilespmem:s18+$0xD0] =	vst.add.f32.msk $0xffff, v9  }
0x148: {  	v7 =	vtrunc.f32 v7;
	v9 =	vld.idx.msk [tilespmem:v1+s10+$0x0], $0xffff;
	v1 =	vmov v3  }
0x149: {  	v3 =	vcvt.f32.s32 v7;
	v7 =	vmul.f32 $1.280000000e+02, v14;
	[tilespmem:s18+$0x1F0] =	vst.add.f32.msk $0xffff, v6  }
0x14a: {  	v8 =	vmul.f32 $5.000000070e-02, v8;
	[tilespmem:s17+$0xF0] =	vst.add.f32.msk $0xffff, v15;
	s17 =	smov.u32 s18;
	s18 =	smov.u32 s20  }
.Ltmp1:
0x14b: {  	v12 =	vadd.f32 $1.285000000e+02, v7;
	v6 =	vld [tilespmem:s20+$0x150];
	(pc) =	sbr.rel @p0 .LBB2_4-.Ltmp1, $4  }
0x14c: {  	v11 =	vmul.f32 $5.000000070e-02, v11;
	[tilespmem:s20+$0x1A0] =	vst.add.f32.msk $0xffff, v8  }
0x14d: {  	v7 =	vld.idx.msk [tilespmem:v5+s10+$0x0], $0xffff;
	v5 =	vmax.f32 v12, $0.0e+00  }
0x14e: {  	[tilespmem:s20+$0xA0] =	vst.add.f32.msk $0xffff, v11;
	v11 =	vmin.f32 v5, $2.550000000e+02;
	v5 =	vmul.f32 $5.000000070e-02, v9  }
0x14f: {  	s20 =	sadd.s32 $0x200, s20;
	v8 =	vld.idx.msk [tilespmem:v10+s10+$0x0], $0xffff;
	v9 =	vtrunc.f32 v11  }
0x150: {  	v9 =	vcvt.f32.s32 v9  }
0x151: {  	v6 =	vmul.f32 $1.280000000e+02, v6;
	_ =	sdelay $0x1  }
0x152: {  	v7 =	vmul.f32 $5.000000070e-02, v7;
	v6 =	vadd.f32 $1.285000000e+02, v6  }
0x153: {  	v10 =	vld [tilespmem:s18+$0x160]  }
0x154: {  	v8 =	vmul.f32 $5.000000070e-02, v8;
	[tilespmem:s18+$0x1B0] =	vst.add.f32.msk $0xffff, v7;
	v6 =	vmax.f32 v6, $0.0e+00  }
0x155: {  	v6 =	vmin.f32 v6, $2.550000000e+02;
	v7 =	vld.idx.msk [tilespmem:v9+s10+$0x0], $0xffff  }
0x156: {  	v6 =	vtrunc.f32 v6;
	[tilespmem:s18+$0xB0] =	vst.add.f32.msk $0xffff, v8  }
0x157: {  	v6 =	vcvt.f32.s32 v6;
	v4 =	vld.idx.msk [tilespmem:v4+s10+$0x0], $0xffff  }
0x158: {  	v57 =	vmul.f32 $1.280000000e+02, v10;
	_ =	sdelay $0x1  }
0x159: {  	v8 =	vadd.f32 $1.285000000e+02, v57;
	v7 =	vmul.f32 $5.000000070e-02, v7  }
0x15a: {  	v58 =	vld [tilespmem:s18+$0x170]  }
0x15b: {  	v59 =	vmax.f32 v8, $0.0e+00;
	v4 =	vmul.f32 $5.000000070e-02, v4;
	[tilespmem:s18+$0x1C0] =	vst.add.f32.msk $0xffff, v7  }
0x15c: {  	v7 =	vmin.f32 v59, $2.550000000e+02;
	v6 =	vld.idx.msk [tilespmem:v6+s10+$0x0], $0xffff  }
0x15d: {  	v7 =	vtrunc.f32 v7;
	[tilespmem:s18+$0xC0] =	vst.add.f32.msk $0xffff, v4  }
0x15e: {  	v60 =	vcvt.f32.s32 v7;
	v2 =	vld.idx.msk [tilespmem:v2+s10+$0x0], $0xffff  }
0x15f: {  	v61 =	vmul.f32 $1.280000000e+02, v58;
	_ =	sdelay $0x1  }
0x160: {  	v7 =	vadd.f32 $1.285000000e+02, v61;
	v6 =	vmul.f32 $5.000000070e-02, v6;
	_ =	sdelay $0x1  }
0x161: {  	v62 =	vmax.f32 v7, $0.0e+00;
	v2 =	vmul.f32 $5.000000070e-02, v2;
	[tilespmem:s18+$0x1D0] =	vst.add.f32.msk $0xffff, v6  }
0x162: {  	v6 =	vmin.f32 v62, $2.550000000e+02;
	v4 =	vld.idx.msk [tilespmem:v60+s10+$0x0], $0xffff  }
0x163: {  	v6 =	vtrunc.f32 v6;
	[tilespmem:s18+$0xD0] =	vst.add.f32.msk $0xffff, v2  }
0x164: {  	v63 =	vcvt.f32.s32 v6;
	v1 =	vld.idx.msk [tilespmem:v1+s10+$0x0], $0xffff;
	_ =	sdelay $0x2  }
0x165: {  	[tilespmem:s17+$0xE0] =	vst.add.f32.msk $0xffff, v5;
	v4 =	vmul.f32 $5.000000070e-02, v4  }
0x166: {  	v0 =	vld.idx.msk [tilespmem:v0+s10+$0x0], $0xffff  }
0x167: {  	v1 =	vmul.f32 $5.000000070e-02, v1;
	[tilespmem:s18+$0x1E0] =	vst.add.f32.msk $0xffff, v4  }
0x168: {  	v2 =	vld.idx.msk [tilespmem:v63+s10+$0x0], $0xffff  }
0x169: {  	[tilespmem:s18+$0xE0] =	vst.add.f32.msk $0xffff, v1  }
0x16a: {  	v1 =	vld.idx.msk [tilespmem:v3+s10+$0x0], $0xffff;
	_ =	sdelay $0x2  }
0x16b: {  	v0 =	vmul.f32 $5.000000070e-02, v0  }
0x16c: {  	v2 =	vmul.f32 $5.000000070e-02, v2  }
0x16d: {  	[tilespmem:s17+$0xF0] =	vst.add.f32.msk $0xffff, v0;
	v1 =	vmul.f32 $5.000000070e-02, v1  }
0x16e: {  	[tilespmem:s18+$0x1F0] =	vst.add.f32.msk $0xffff, v2  }
0x16f: {  	s16 =	sadd.s32 $0x1, s16;
	[tilespmem:s18+$0xF0] =	vst.add.f32.msk $0xffff, v1  }
0x170: {  	[hbm4b:s7+s3] =	stream.linear.scatter [tilespmem:s9], [sflag:$0x4], $0x2000, $0x38;
	[tilespmem:$0x4100] =	vst v63  }
0x171: {  	p0 =	sne.s32 s16, s8;
	_ =	swait.ge [sflag:s14], $0x2000  }
.Ltmp2:
0x172: {  	[sflag:s14] =	ssyncset.done $0x0;
	(pc) =	sbr.rel @p0 .LBB2_1-.Ltmp2, $4  }
0x173: {  	[sflag:s14] =	ssyncadd.s32 $0xFFFFE000  }
0x174: {  	_ =	swait.ge [sflag:s15], $0x2000  }
0x175: {  	[sflag:s15] =	ssyncset.done $0x0  }
0x176: {  	[sflag:s15] =	ssyncadd.s32 $0xFFFFE000  }
0x177: {  	_ =	sfence.sel $0x180000  }
0x178: {  	[bflag:$0x0] =	sbarrier.arrive $0xFFFF  }
0x179: {  	p0 =	sne.s32 s2, $0x0;
	_ =	strace $0x90000047  }
0x17a: {  	s0 =	sadd.s32 @!p0 $0x100000, s0;
	[bflag:$0x2] =	sbarrier.arrive $0xFFFF  }
0x17b: {  	[sflag:s0] =	ssyncadd.tile.s32 @!p0 $0x1;
	_ =	shalt  }
.Lfunc_end2:
_tile_overlayer_lowered:
.L_overlay_start_2:
0x17c: {  	(tag) =	ssettag $0x2  }
0x17d: {  	s0 =	rddreg [dreg:$0x0];
	s2 =	stileid.u32  }
0x17e: {  	s1 =	rddreg [dreg:$0x1];
	p0 =	sne.s32 s2, $0x0  }
0x17f: {  	s3 =	rddreg [dreg:$0x2];
	[bflag:$0x3] =	sbarrier.arrive $0xFFFF;
	s2 =	simm.s32 @!p0 $0x1C05  }
0x180: {  	[timem:s3], [sflag:s2] =	dma.local @!p0 [hbm:s0], s1  }
0x181: {  	s0 =	simm.s32 @!p0 $0x5  }
0x182: {  	_ =	swait.ge @!p0 [sflag:s0], s1  }
0x183: {  	s1 =	ssub.s32 @!p0 $0x0, s1;
	[sflag:s0] =	ssyncset.done @!p0 $0x0  }
0x184: {  	[sflag:s0] =	ssyncadd.s32 @!p0 s1  }
0x185: {  	[bflag:$0x3] =	sbarrier.arrive $0xFFFF  }
0x186: {  	_ =	shalt  }

</sc_bundles>
